<compile_context>
chip_gen: v7x
topology: tpu7x:2x2x1
jax: 0.10.2.dev20260603
libtpu: 0.0.44.dev20260713+nightly
codegen_flags: <defaults>
</compile_context>

<pallas_src>
import functools

import jax
import jax.numpy as jnp
from jax import lax
from jax.experimental import pallas as pl
from jax.experimental.pallas import tpu as pltpu
from jax.experimental.pallas import tpu_sc as plsc

N_NODES = 10000
N_EDGES = 320000
DIM = 128

NC = 2
NS = 16
CHUNK = 80
SUP = 5
SCHUNK = 25
NB = 3
LA = NB - 1
N_PAD = 10240
ROWS_PER_TILE = N_PAD // NS
ZROWS = 64


def _sc_segment_sum(src_r, dst_r, entity_embed, zrows):
    mesh = plsc.VectorSubcoreMesh(core_axis_name="c", subcore_axis_name="s")

    @functools.partial(
        pl.kernel,
        mesh=mesh,
        out_type=jax.ShapeDtypeStruct((NC, N_PAD, DIM), jnp.float32),
        scratch_types=[
            pltpu.VMEM((2, SCHUNK, CHUNK), jnp.int32),
            pltpu.VMEM((2, SCHUNK, CHUNK), jnp.int32),
            pltpu.VMEM((NB, CHUNK, DIM), jnp.float32),
            pltpu.VMEM_SHARED((N_PAD, DIM), jnp.float32),
        ] + [pltpu.SemaphoreType.DMA] * (2 * NB + 1),
    )
    def seg_sum(src_hbm, dst_hbm, ent_hbm, z_hbm, out_hbm,
                src_v, dst_v, rows_v, h_sh, *sems):
        gsem = sems[:NB]
        ssem = sems[NB:2 * NB]
        psem = sems[2 * NB]
        c = lax.axis_index("c")
        s = lax.axis_index("s")
        base = s * ROWS_PER_TILE
        for z in range(ROWS_PER_TILE // ZROWS):
            pltpu.async_copy(z_hbm, h_sh.at[pl.ds(base + z * ZROWS, ZROWS)],
                             gsem[0])
        for z in range(ROWS_PER_TILE // ZROWS):
            pltpu.make_async_copy(z_hbm, h_sh.at[pl.ds(base, ZROWS)],
                                  gsem[0]).wait()

        plsc.subcore_barrier()

        def gather(par, g, b):
            pltpu.async_copy(ent_hbm.at[src_v.at[par, g]], rows_v.at[b],
                             gsem[b])

        def gather_wait(b):
            pltpu.make_async_copy(ent_hbm.at[src_v.at[0, 0]], rows_v.at[b],
                                  gsem[b]).wait()

        def scatter(par, g, b):
            pltpu.async_copy(rows_v.at[b], h_sh.at[dst_v.at[par, g]], ssem[b],
                             add=True)

        def scatter_wait(b):
            pltpu.make_async_copy(rows_v.at[b], h_sh.at[dst_v.at[0, 0]],
                                  ssem[b]).wait()

        pltpu.sync_copy(src_hbm.at[c, s, 0], src_v.at[0])
        pltpu.sync_copy(dst_hbm.at[c, s, 0], dst_v.at[0])

        def sup_body(q, carry):
            par = lax.rem(q, 2)
            parn = lax.rem(q + 1, 2)

            @pl.when(q + 1 < SUP)
            def _():
                pltpu.async_copy(src_hbm.at[c, s, q + 1], src_v.at[parn],
                                 psem)
                pltpu.async_copy(dst_hbm.at[c, s, q + 1], dst_v.at[parn],
                                 psem)

            for g in range(LA):
                gather(par, g, g % NB)

            def step(t, c2):
                bt = lax.rem(t, NB)
                for k in range(NB):
                    @pl.when(bt == k)
                    def _(k=k):
                        gather_wait(k)
                        scatter(par, t, k)

                @pl.when(t + LA < SCHUNK)
                def _():
                    bp = lax.rem(t + LA, NB)
                    for k in range(NB):
                        @pl.when(bp == k)
                        def _(k=k):
                            @pl.when(t >= 1)
                            def _():
                                scatter_wait(k)
                            gather(par, t + LA, k)

                return c2

            lax.fori_loop(0, SCHUNK, step, 0)
            for k in range(NB):
                scatter_wait(k)

            @pl.when(q + 1 < SUP)
            def _():
                pltpu.make_async_copy(src_hbm.at[c, s, 0], src_v.at[0],
                                      psem).wait()
                pltpu.make_async_copy(dst_hbm.at[c, s, 0], dst_v.at[0],
                                      psem).wait()

            return carry

        lax.fori_loop(0, SUP, sup_body, 0)
        plsc.subcore_barrier()
        pltpu.sync_copy(h_sh.at[pl.ds(base, ROWS_PER_TILE)],
                        out_hbm.at[c, pl.ds(base, ROWS_PER_TILE)])

    return seg_sum(src_r, dst_r, entity_embed, zrows)


def _tc_dense(hp, entity_embed, w1t, b1, w2t, b2):
    rows = 2000
    grid = N_NODES // rows

    dn = (((1,), (1,)), ((), ()))

    def body(hpb, e, w1, bb1, w2, bb2, o):
        h = hpb[0] + hpb[1]
        a = lax.dot_general(h, w1[...], dn,
                            preferred_element_type=jnp.float32) + bb1[...]
        b = lax.dot_general(e[...] * h, w2[...], dn,
                            preferred_element_type=jnp.float32) + bb2[...]
        o[...] = jnp.where(a >= 0, a, 0.01 * a) + jnp.where(b >= 0, b, 0.01 * b)

    blk = pl.BlockSpec((rows, DIM), lambda i: (i, 0))
    wblk = pl.BlockSpec((DIM, DIM), lambda i: (0, 0))
    bblk = pl.BlockSpec((1, DIM), lambda i: (0, 0))
    return pl.pallas_call(
        body,
        grid=(grid,),
        in_specs=[pl.BlockSpec((NC, rows, DIM), lambda i: (0, i, 0)),
                  blk, wblk, bblk, wblk, bblk],
        out_specs=blk,
        out_shape=jax.ShapeDtypeStruct((N_NODES, DIM), jnp.float32),
    )(hp, entity_embed, w1t, b1, w2t, b2)


def kernel(mode, edge_index, entity_embed, W1, b1, W2, b2):
    src_r = edge_index[0].reshape(NC, NS, SUP, SCHUNK, CHUNK)
    dst_r = edge_index[1].reshape(NC, NS, SUP, SCHUNK, CHUNK)
    zrows = jnp.zeros((ZROWS, DIM), jnp.float32)
    hp = _sc_segment_sum(src_r, dst_r, entity_embed, zrows)
    return _tc_dense(hp, entity_embed,
                     W1, b1.reshape(1, DIM), W2, b2.reshape(1, DIM))

# --- scband reference (transcript-rebuilt; emitter-appended) ---
"""Pipeline reference for scband-aggregator-12524124636045 (READ-ONLY COPY).

The authoritative reference and input builder live on the scoring server;
editing this copy changes nothing except your own understanding.
"""

import jax, jax.numpy as jnp
import numpy as np

N_NODES = 10000
N_EDGES = 320000
IN_DIM = 128
OUT_DIM = 128


def setup_inputs(seed: int = 0) -> dict:
    key = jax.random.key(seed)
    k1, k2, k3, k4, k5, k6 = jax.random.split(key, 6)
    mode = 0  # unused flag arg from original forward signature
    edge_index = jax.random.randint(k1, (2, N_EDGES), 0, N_NODES, dtype=jnp.int32)
    entity_embed = jax.random.normal(k2, (N_NODES, IN_DIM), dtype=jnp.float32)
    # nn.Linear params: weight [out, in], bias [out]
    lim1 = 1.0 / np.sqrt(IN_DIM)
    W1 = jax.random.uniform(k3, (OUT_DIM, IN_DIM), minval=-lim1, maxval=lim1, dtype=jnp.float32)
    b1 = jax.random.uniform(k4, (OUT_DIM,), minval=-lim1, maxval=lim1, dtype=jnp.float32)
    W2 = jax.random.uniform(k5, (OUT_DIM, IN_DIM), minval=-lim1, maxval=lim1, dtype=jnp.float32)
    b2 = jax.random.uniform(k6, (OUT_DIM,), minval=-lim1, maxval=lim1, dtype=jnp.float32)
    return {"mode": mode, "edge_index": edge_index, "entity_embed": entity_embed,
            "W1": W1, "b1": b1, "W2": W2, "b2": b2}


def reference(mode, edge_index, entity_embed, W1, b1, W2, b2):
    # DGL: g.update_all(copy_u('node','side'), sum('side','H'))
    # == scatter-add of src-node features onto dst nodes
    src = edge_index[0]
    dst = edge_index[1]
    msgs = jnp.take(entity_embed, src, axis=0)            # gather  [E, D]
    H = jax.ops.segment_sum(msgs, dst, num_segments=entity_embed.shape[0])  # scatter-add [N, D]
    lrelu = lambda x: jax.nn.leaky_relu(x, negative_slope=0.01)
    neighbors = lrelu(H @ W1.T + b1)
    interactions = lrelu((entity_embed * H) @ W2.T + b2)
    out = neighbors + interactions
    # message_dropout is identity in eval mode
    return out

if __name__ == "__main__":
    import jax
    _d = setup_inputs()
    print(jax.jit(kernel)(*tuple(_d.values())))

</pallas_src>

<mosaic_0001>
#map = affine_map<(d0, d1) -> (0, 0, 0, 0, 0)>
#map1 = affine_map<(d0, d1) -> (0, 0)>
#map2 = affine_map<(d0, d1) -> (0, 0, 0)>
module attributes {stable_mosaic.version = 14 : i64} {
  func.func @seg_sum(%arg0: i32, %arg1: i32, %arg2: memref<2x16x5x25x80xi32, #tpu.memory_space<hbm>>, %arg3: memref<2x16x5x25x80xi32, #tpu.memory_space<hbm>>, %arg4: memref<10000x128xf32, #tpu.memory_space<hbm>>, %arg5: memref<64x128xf32, #tpu.memory_space<hbm>>, %arg6: memref<2x10240x128xf32, #tpu.memory_space<hbm>>, %arg7: memref<2x25x80xi32, #tpu.memory_space<vmem>>, %arg8: memref<2x25x80xi32, #tpu.memory_space<vmem>>, %arg9: memref<3x80x128xf32, #tpu.memory_space<vmem>>, %arg10: memref<10240x128xf32, #tpu.memory_space<vmem_shared>>, %arg11: memref<!tpu.dma_semaphore, #tpu.memory_space<semaphore_mem>>, %arg12: memref<!tpu.dma_semaphore, #tpu.memory_space<semaphore_mem>>, %arg13: memref<!tpu.dma_semaphore, #tpu.memory_space<semaphore_mem>>, %arg14: memref<!tpu.dma_semaphore, #tpu.memory_space<semaphore_mem>>, %arg15: memref<!tpu.dma_semaphore, #tpu.memory_space<semaphore_mem>>, %arg16: memref<!tpu.dma_semaphore, #tpu.memory_space<semaphore_mem>>, %arg17: memref<!tpu.dma_semaphore, #tpu.memory_space<semaphore_mem>>) attributes {dimension_semantics = [#tpu.dimension_semantics<core_parallel>, #tpu.dimension_semantics<subcore_parallel>], iteration_bounds = array<i64: 2, 16>, scalar_prefetch = 0 : i64, scratch_operands = 11 : i64, tpu.core_type = #tpu.core_type<sc_vector_subcore>, window_params = [{transform_indices = #map}, {transform_indices = #map}, {transform_indices = #map1}, {transform_indices = #map1}, {transform_indices = #map2}]} {
    %mul3A = arith.constant 640 : i32
    %mul3A_0 = arith.muli %arg1, %mul3A : i32
    %add3A = arith.constant 0 : i32
    %add3A_1 = arith.addi %mul3A_0, %add3A : i32
    %dma_start3A = arith.constant 0 : i32
    %dma_start3A_2 = tpu.memref_slice %arg10[%add3A_1, %dma_start3A] : memref<10240x128xf32, #tpu.memory_space<vmem_shared>> -> memref<64x128xf32, #tpu.memory_space<vmem_shared>>
    tpu.enqueue_dma source(%arg5 : memref<64x128xf32, #tpu.memory_space<hbm>>) target(%dma_start3A_2 : memref<64x128xf32, #tpu.memory_space<vmem_shared>>) target_semaphore(%arg11 : memref<!tpu.dma_semaphore, #tpu.memory_space<semaphore_mem>>)
    %add3A_3 = arith.constant 64 : i32
    %add3A_4 = arith.addi %mul3A_0, %add3A_3 : i32
    %dma_start3A_5 = arith.constant 0 : i32
    %dma_start3A_6 = tpu.memref_slice %arg10[%add3A_4, %dma_start3A_5] : memref<10240x128xf32, #tpu.memory_space<vmem_shared>> -> memref<64x128xf32, #tpu.memory_space<vmem_shared>>
    tpu.enqueue_dma source(%arg5 : memref<64x128xf32, #tpu.memory_space<hbm>>) target(%dma_start3A_6 : memref<64x128xf32, #tpu.memory_space<vmem_shared>>) target_semaphore(%arg11 : memref<!tpu.dma_semaphore, #tpu.memory_space<semaphore_mem>>)
    %add3A_7 = arith.constant 128 : i32
    %add3A_8 = arith.addi %mul3A_0, %add3A_7 : i32
    %dma_start3A_9 = arith.constant 0 : i32
    %dma_start3A_10 = tpu.memref_slice %arg10[%add3A_8, %dma_start3A_9] : memref<10240x128xf32, #tpu.memory_space<vmem_shared>> -> memref<64x128xf32, #tpu.memory_space<vmem_shared>>
    tpu.enqueue_dma source(%arg5 : memref<64x128xf32, #tpu.memory_space<hbm>>) target(%dma_start3A_10 : memref<64x128xf32, #tpu.memory_space<vmem_shared>>) target_semaphore(%arg11 : memref<!tpu.dma_semaphore, #tpu.memory_space<semaphore_mem>>)
    %add3A_11 = arith.constant 192 : i32
    %add3A_12 = arith.addi %mul3A_0, %add3A_11 : i32
    %dma_start3A_13 = arith.constant 0 : i32
    %dma_start3A_14 = tpu.memref_slice %arg10[%add3A_12, %dma_start3A_13] : memref<10240x128xf32, #tpu.memory_space<vmem_shared>> -> memref<64x128xf32, #tpu.memory_space<vmem_shared>>
    tpu.enqueue_dma source(%arg5 : memref<64x128xf32, #tpu.memory_space<hbm>>) target(%dma_start3A_14 : memref<64x128xf32, #tpu.memory_space<vmem_shared>>) target_semaphore(%arg11 : memref<!tpu.dma_semaphore, #tpu.memory_space<semaphore_mem>>)
    %add3A_15 = arith.constant 256 : i32
    %add3A_16 = arith.addi %mul3A_0, %add3A_15 : i32
    %dma_start3A_17 = arith.constant 0 : i32
    %dma_start3A_18 = tpu.memref_slice %arg10[%add3A_16, %dma_start3A_17] : memref<10240x128xf32, #tpu.memory_space<vmem_shared>> -> memref<64x128xf32, #tpu.memory_space<vmem_shared>>
    tpu.enqueue_dma source(%arg5 : memref<64x128xf32, #tpu.memory_space<hbm>>) target(%dma_start3A_18 : memref<64x128xf32, #tpu.memory_space<vmem_shared>>) target_semaphore(%arg11 : memref<!tpu.dma_semaphore, #tpu.memory_space<semaphore_mem>>)
    %add3A_19 = arith.constant 320 : i32
    %add3A_20 = arith.addi %mul3A_0, %add3A_19 : i32
    %dma_start3A_21 = arith.constant 0 : i32
    %dma_start3A_22 = tpu.memref_slice %arg10[%add3A_20, %dma_start3A_21] : memref<10240x128xf32, #tpu.memory_space<vmem_shared>> -> memref<64x128xf32, #tpu.memory_space<vmem_shared>>
    tpu.enqueue_dma source(%arg5 : memref<64x128xf32, #tpu.memory_space<hbm>>) target(%dma_start3A_22 : memref<64x128xf32, #tpu.memory_space<vmem_shared>>) target_semaphore(%arg11 : memref<!tpu.dma_semaphore, #tpu.memory_space<semaphore_mem>>)
    %add3A_23 = arith.constant 384 : i32
    %add3A_24 = arith.addi %mul3A_0, %add3A_23 : i32
    %dma_start3A_25 = arith.constant 0 : i32
    %dma_start3A_26 = tpu.memref_slice %arg10[%add3A_24, %dma_start3A_25] : memref<10240x128xf32, #tpu.memory_space<vmem_shared>> -> memref<64x128xf32, #tpu.memory_space<vmem_shared>>
    tpu.enqueue_dma source(%arg5 : memref<64x128xf32, #tpu.memory_space<hbm>>) target(%dma_start3A_26 : memref<64x128xf32, #tpu.memory_space<vmem_shared>>) target_semaphore(%arg11 : memref<!tpu.dma_semaphore, #tpu.memory_space<semaphore_mem>>)
    %add3A_27 = arith.constant 448 : i32
    %add3A_28 = arith.addi %mul3A_0, %add3A_27 : i32
    %dma_start3A_29 = arith.constant 0 : i32
    %dma_start3A_30 = tpu.memref_slice %arg10[%add3A_28, %dma_start3A_29] : memref<10240x128xf32, #tpu.memory_space<vmem_shared>> -> memref<64x128xf32, #tpu.memory_space<vmem_shared>>
    tpu.enqueue_dma source(%arg5 : memref<64x128xf32, #tpu.memory_space<hbm>>) target(%dma_start3A_30 : memref<64x128xf32, #tpu.memory_space<vmem_shared>>) target_semaphore(%arg11 : memref<!tpu.dma_semaphore, #tpu.memory_space<semaphore_mem>>)
    %add3A_31 = arith.constant 512 : i32
    %add3A_32 = arith.addi %mul3A_0, %add3A_31 : i32
    %dma_start3A_33 = arith.constant 0 : i32
    %dma_start3A_34 = tpu.memref_slice %arg10[%add3A_32, %dma_start3A_33] : memref<10240x128xf32, #tpu.memory_space<vmem_shared>> -> memref<64x128xf32, #tpu.memory_space<vmem_shared>>
    tpu.enqueue_dma source(%arg5 : memref<64x128xf32, #tpu.memory_space<hbm>>) target(%dma_start3A_34 : memref<64x128xf32, #tpu.memory_space<vmem_shared>>) target_semaphore(%arg11 : memref<!tpu.dma_semaphore, #tpu.memory_space<semaphore_mem>>)
    %add3A_35 = arith.constant 576 : i32
    %add3A_36 = arith.addi %mul3A_0, %add3A_35 : i32
    %dma_start3A_37 = arith.constant 0 : i32
    %dma_start3A_38 = tpu.memref_slice %arg10[%add3A_36, %dma_start3A_37] : memref<10240x128xf32, #tpu.memory_space<vmem_shared>> -> memref<64x128xf32, #tpu.memory_space<vmem_shared>>
    tpu.enqueue_dma source(%arg5 : memref<64x128xf32, #tpu.memory_space<hbm>>) target(%dma_start3A_38 : memref<64x128xf32, #tpu.memory_space<vmem_shared>>) target_semaphore(%arg11 : memref<!tpu.dma_semaphore, #tpu.memory_space<semaphore_mem>>)
    %dma_wait3A = arith.constant 0 : i32
    %dma_wait3A_39 = tpu.memref_slice %arg10[%mul3A_0, %dma_wait3A] : memref<10240x128xf32, #tpu.memory_space<vmem_shared>> -> memref<64x128xf32, #tpu.memory_space<vmem_shared>>
    tpu.wait_dma2 semaphore(%arg11 : memref<!tpu.dma_semaphore, #tpu.memory_space<semaphore_mem>>) src(%arg5 : memref<64x128xf32, #tpu.memory_space<hbm>>) dst(%dma_wait3A_39 : memref<64x128xf32, #tpu.memory_space<vmem_shared>>)
    %dma_wait3A_40 = arith.constant 0 : i32
    %dma_wait3A_41 = tpu.memref_slice %arg10[%mul3A_0, %dma_wait3A_40] : memref<10240x128xf32, #tpu.memory_space<vmem_shared>> -> memref<64x128xf32, #tpu.memory_space<vmem_shared>>
    tpu.wait_dma2 semaphore(%arg11 : memref<!tpu.dma_semaphore, #tpu.memory_space<semaphore_mem>>) src(%arg5 : memref<64x128xf32, #tpu.memory_space<hbm>>) dst(%dma_wait3A_41 : memref<64x128xf32, #tpu.memory_space<vmem_shared>>)
    %dma_wait3A_42 = arith.constant 0 : i32
    %dma_wait3A_43 = tpu.memref_slice %arg10[%mul3A_0, %dma_wait3A_42] : memref<10240x128xf32, #tpu.memory_space<vmem_shared>> -> memref<64x128xf32, #tpu.memory_space<vmem_shared>>
    tpu.wait_dma2 semaphore(%arg11 : memref<!tpu.dma_semaphore, #tpu.memory_space<semaphore_mem>>) src(%arg5 : memref<64x128xf32, #tpu.memory_space<hbm>>) dst(%dma_wait3A_43 : memref<64x128xf32, #tpu.memory_space<vmem_shared>>)
    %dma_wait3A_44 = arith.constant 0 : i32
    %dma_wait3A_45 = tpu.memref_slice %arg10[%mul3A_0, %dma_wait3A_44] : memref<10240x128xf32, #tpu.memory_space<vmem_shared>> -> memref<64x128xf32, #tpu.memory_space<vmem_shared>>
    tpu.wait_dma2 semaphore(%arg11 : memref<!tpu.dma_semaphore, #tpu.memory_space<semaphore_mem>>) src(%arg5 : memref<64x128xf32, #tpu.memory_space<hbm>>) dst(%dma_wait3A_45 : memref<64x128xf32, #tpu.memory_space<vmem_shared>>)
    %dma_wait3A_46 = arith.constant 0 : i32
    %dma_wait3A_47 = tpu.memref_slice %arg10[%mul3A_0, %dma_wait3A_46] : memref<10240x128xf32, #tpu.memory_space<vmem_shared>> -> memref<64x128xf32, #tpu.memory_space<vmem_shared>>
    tpu.wait_dma2 semaphore(%arg11 : memref<!tpu.dma_semaphore, #tpu.memory_space<semaphore_mem>>) src(%arg5 : memref<64x128xf32, #tpu.memory_space<hbm>>) dst(%dma_wait3A_47 : memref<64x128xf32, #tpu.memory_space<vmem_shared>>)
    %dma_wait3A_48 = arith.constant 0 : i32
    %dma_wait3A_49 = tpu.memref_slice %arg10[%mul3A_0, %dma_wait3A_48] : memref<10240x128xf32, #tpu.memory_space<vmem_shared>> -> memref<64x128xf32, #tpu.memory_space<vmem_shared>>
    tpu.wait_dma2 semaphore(%arg11 : memref<!tpu.dma_semaphore, #tpu.memory_space<semaphore_mem>>) src(%arg5 : memref<64x128xf32, #tpu.memory_space<hbm>>) dst(%dma_wait3A_49 : memref<64x128xf32, #tpu.memory_space<vmem_shared>>)
    %dma_wait3A_50 = arith.constant 0 : i32
    %dma_wait3A_51 = tpu.memref_slice %arg10[%mul3A_0, %dma_wait3A_50] : memref<10240x128xf32, #tpu.memory_space<vmem_shared>> -> memref<64x128xf32, #tpu.memory_space<vmem_shared>>
    tpu.wait_dma2 semaphore(%arg11 : memref<!tpu.dma_semaphore, #tpu.memory_space<semaphore_mem>>) src(%arg5 : memref<64x128xf32, #tpu.memory_space<hbm>>) dst(%dma_wait3A_51 : memref<64x128xf32, #tpu.memory_space<vmem_shared>>)
    %dma_wait3A_52 = arith.constant 0 : i32
    %dma_wait3A_53 = tpu.memref_slice %arg10[%mul3A_0, %dma_wait3A_52] : memref<10240x128xf32, #tpu.memory_space<vmem_shared>> -> memref<64x128xf32, #tpu.memory_space<vmem_shared>>
    tpu.wait_dma2 semaphore(%arg11 : memref<!tpu.dma_semaphore, #tpu.memory_space<semaphore_mem>>) src(%arg5 : memref<64x128xf32, #tpu.memory_space<hbm>>) dst(%dma_wait3A_53 : memref<64x128xf32, #tpu.memory_space<vmem_shared>>)
    %dma_wait3A_54 = arith.constant 0 : i32
    %dma_wait3A_55 = tpu.memref_slice %arg10[%mul3A_0, %dma_wait3A_54] : memref<10240x128xf32, #tpu.memory_space<vmem_shared>> -> memref<64x128xf32, #tpu.memory_space<vmem_shared>>
    tpu.wait_dma2 semaphore(%arg11 : memref<!tpu.dma_semaphore, #tpu.memory_space<semaphore_mem>>) src(%arg5 : memref<64x128xf32, #tpu.memory_space<hbm>>) dst(%dma_wait3A_55 : memref<64x128xf32, #tpu.memory_space<vmem_shared>>)
    %dma_wait3A_56 = arith.constant 0 : i32
    %dma_wait3A_57 = tpu.memref_slice %arg10[%mul3A_0, %dma_wait3A_56] : memref<10240x128xf32, #tpu.memory_space<vmem_shared>> -> memref<64x128xf32, #tpu.memory_space<vmem_shared>>
    tpu.wait_dma2 semaphore(%arg11 : memref<!tpu.dma_semaphore, #tpu.memory_space<semaphore_mem>>) src(%arg5 : memref<64x128xf32, #tpu.memory_space<hbm>>) dst(%dma_wait3A_57 : memref<64x128xf32, #tpu.memory_space<vmem_shared>>)
    %barrier3A = arith.constant 0 : index
    tpu.barrier barrier_id(%barrier3A)
    %run_scoped3A = arith.constant 0 : i32
    %run_scoped3A_58 = arith.constant 0 : i32
    "tpu.region"() ({
      %run_scoped3A_67 = tpu.sem_alloc : memref<!tpu.dma_semaphore, #tpu.memory_space<semaphore_mem>>
      %dma_start3A_68 = arith.constant 0 : i32
      %dma_start3A_69 = arith.constant 0 : i32
      %dma_start3A_70 = tpu.memref_slice %arg7[%run_scoped3A_58, %dma_start3A_68, %dma_start3A_69] : memref<2x25x80xi32, #tpu.memory_space<vmem>> -> memref<1x25x80xi32, #tpu.memory_space<vmem>>
      %dma_start3A_71 = tpu.memref_squeeze %dma_start3A_70 : memref<1x25x80xi32, #tpu.memory_space<vmem>> -> memref<25x80xi32, #tpu.memory_space<vmem>>
      %dma_start3A_72 = arith.constant 0 : i32
      %dma_start3A_73 = arith.constant 0 : i32
      %dma_start3A_74 = tpu.memref_slice %arg2[%arg0, %arg1, %run_scoped3A, %dma_start3A_72, %dma_start3A_73] : memref<2x16x5x25x80xi32, #tpu.memory_space<hbm>> -> memref<1x1x1x25x80xi32, #tpu.memory_space<hbm>>
      %dma_start3A_75 = tpu.memref_squeeze %dma_start3A_74 : memref<1x1x1x25x80xi32, #tpu.memory_space<hbm>> -> memref<25x80xi32, #tpu.memory_space<hbm>>
      %dma_start3A_76 = arith.constant 0 : i32
      %dma_start3A_77 = arith.constant 0 : i32
      %dma_start3A_78 = tpu.memref_slice %arg7[%run_scoped3A_58, %dma_start3A_76, %dma_start3A_77] : memref<2x25x80xi32, #tpu.memory_space<vmem>> -> memref<1x25x80xi32, #tpu.memory_space<vmem>>
      %dma_start3A_79 = tpu.memref_squeeze %dma_start3A_78 : memref<1x25x80xi32, #tpu.memory_space<vmem>> -> memref<25x80xi32, #tpu.memory_space<vmem>>
      %dma_start3A_80 = arith.constant 0 : i32
      %dma_start3A_81 = arith.constant 0 : i32
      %dma_start3A_82 = tpu.memref_slice %arg2[%arg0, %arg1, %run_scoped3A, %dma_start3A_80, %dma_start3A_81] : memref<2x16x5x25x80xi32, #tpu.memory_space<hbm>> -> memref<1x1x1x25x80xi32, #tpu.memory_space<hbm>>
      %dma_start3A_83 = tpu.memref_squeeze %dma_start3A_82 : memref<1x1x1x25x80xi32, #tpu.memory_space<hbm>> -> memref<25x80xi32, #tpu.memory_space<hbm>>
      tpu.enqueue_dma source(%dma_start3A_83 : memref<25x80xi32, #tpu.memory_space<hbm>>) target(%dma_start3A_79 : memref<25x80xi32, #tpu.memory_space<vmem>>) target_semaphore(%run_scoped3A_67 : memref<!tpu.dma_semaphore, #tpu.memory_space<semaphore_mem>>)
      %dma_wait3A_84 = arith.constant 0 : i32
      %dma_wait3A_85 = arith.constant 0 : i32
      %dma_wait3A_86 = tpu.memref_slice %arg7[%run_scoped3A_58, %dma_wait3A_84, %dma_wait3A_85] : memref<2x25x80xi32, #tpu.memory_space<vmem>> -> memref<1x25x80xi32, #tpu.memory_space<vmem>>
      %dma_wait3A_87 = tpu.memref_squeeze %dma_wait3A_86 : memref<1x25x80xi32, #tpu.memory_space<vmem>> -> memref<25x80xi32, #tpu.memory_space<vmem>>
      %dma_wait3A_88 = arith.constant 0 : i32
      %dma_wait3A_89 = arith.constant 0 : i32
      %dma_wait3A_90 = tpu.memref_slice %arg2[%arg0, %arg1, %run_scoped3A, %dma_wait3A_88, %dma_wait3A_89] : memref<2x16x5x25x80xi32, #tpu.memory_space<hbm>> -> memref<1x1x1x25x80xi32, #tpu.memory_space<hbm>>
      %dma_wait3A_91 = tpu.memref_squeeze %dma_wait3A_90 : memref<1x1x1x25x80xi32, #tpu.memory_space<hbm>> -> memref<25x80xi32, #tpu.memory_space<hbm>>
      %dma_wait3A_92 = arith.constant 0 : i32
      %dma_wait3A_93 = arith.constant 0 : i32
      %dma_wait3A_94 = tpu.memref_slice %arg7[%run_scoped3A_58, %dma_wait3A_92, %dma_wait3A_93] : memref<2x25x80xi32, #tpu.memory_space<vmem>> -> memref<1x25x80xi32, #tpu.memory_space<vmem>>
      %dma_wait3A_95 = tpu.memref_squeeze %dma_wait3A_94 : memref<1x25x80xi32, #tpu.memory_space<vmem>> -> memref<25x80xi32, #tpu.memory_space<vmem>>
      %dma_wait3A_96 = arith.constant 0 : i32
      %dma_wait3A_97 = arith.constant 0 : i32
      %dma_wait3A_98 = tpu.memref_slice %arg2[%arg0, %arg1, %run_scoped3A, %dma_wait3A_96, %dma_wait3A_97] : memref<2x16x5x25x80xi32, #tpu.memory_space<hbm>> -> memref<1x1x1x25x80xi32, #tpu.memory_space<hbm>>
      %dma_wait3A_99 = tpu.memref_squeeze %dma_wait3A_98 : memref<1x1x1x25x80xi32, #tpu.memory_space<hbm>> -> memref<25x80xi32, #tpu.memory_space<hbm>>
      tpu.wait_dma2 semaphore(%run_scoped3A_67 : memref<!tpu.dma_semaphore, #tpu.memory_space<semaphore_mem>>) src(%dma_wait3A_99 : memref<25x80xi32, #tpu.memory_space<hbm>>) dst(%dma_wait3A_95 : memref<25x80xi32, #tpu.memory_space<vmem>>)
      tpu.yield
    }) : () -> ()
    %run_scoped3A_59 = arith.constant 0 : i32
    %run_scoped3A_60 = arith.constant 0 : i32
    "tpu.region"() ({
      %run_scoped3A_67 = tpu.sem_alloc : memref<!tpu.dma_semaphore, #tpu.memory_space<semaphore_mem>>
      %dma_start3A_68 = arith.constant 0 : i32
      %dma_start3A_69 = arith.constant 0 : i32
      %dma_start3A_70 = tpu.memref_slice %arg8[%run_scoped3A_60, %dma_start3A_68, %dma_start3A_69] : memref<2x25x80xi32, #tpu.memory_space<vmem>> -> memref<1x25x80xi32, #tpu.memory_space<vmem>>
      %dma_start3A_71 = tpu.memref_squeeze %dma_start3A_70 : memref<1x25x80xi32, #tpu.memory_space<vmem>> -> memref<25x80xi32, #tpu.memory_space<vmem>>
      %dma_start3A_72 = arith.constant 0 : i32
      %dma_start3A_73 = arith.constant 0 : i32
      %dma_start3A_74 = tpu.memref_slice %arg3[%arg0, %arg1, %run_scoped3A_59, %dma_start3A_72, %dma_start3A_73] : memref<2x16x5x25x80xi32, #tpu.memory_space<hbm>> -> memref<1x1x1x25x80xi32, #tpu.memory_space<hbm>>
      %dma_start3A_75 = tpu.memref_squeeze %dma_start3A_74 : memref<1x1x1x25x80xi32, #tpu.memory_space<hbm>> -> memref<25x80xi32, #tpu.memory_space<hbm>>
      %dma_start3A_76 = arith.constant 0 : i32
      %dma_start3A_77 = arith.constant 0 : i32
      %dma_start3A_78 = tpu.memref_slice %arg8[%run_scoped3A_60, %dma_start3A_76, %dma_start3A_77] : memref<2x25x80xi32, #tpu.memory_space<vmem>> -> memref<1x25x80xi32, #tpu.memory_space<vmem>>
      %dma_start3A_79 = tpu.memref_squeeze %dma_start3A_78 : memref<1x25x80xi32, #tpu.memory_space<vmem>> -> memref<25x80xi32, #tpu.memory_space<vmem>>
      %dma_start3A_80 = arith.constant 0 : i32
      %dma_start3A_81 = arith.constant 0 : i32
      %dma_start3A_82 = tpu.memref_slice %arg3[%arg0, %arg1, %run_scoped3A_59, %dma_start3A_80, %dma_start3A_81] : memref<2x16x5x25x80xi32, #tpu.memory_space<hbm>> -> memref<1x1x1x25x80xi32, #tpu.memory_space<hbm>>
      %dma_start3A_83 = tpu.memref_squeeze %dma_start3A_82 : memref<1x1x1x25x80xi32, #tpu.memory_space<hbm>> -> memref<25x80xi32, #tpu.memory_space<hbm>>
      tpu.enqueue_dma source(%dma_start3A_83 : memref<25x80xi32, #tpu.memory_space<hbm>>) target(%dma_start3A_79 : memref<25x80xi32, #tpu.memory_space<vmem>>) target_semaphore(%run_scoped3A_67 : memref<!tpu.dma_semaphore, #tpu.memory_space<semaphore_mem>>)
      %dma_wait3A_84 = arith.constant 0 : i32
      %dma_wait3A_85 = arith.constant 0 : i32
      %dma_wait3A_86 = tpu.memref_slice %arg8[%run_scoped3A_60, %dma_wait3A_84, %dma_wait3A_85] : memref<2x25x80xi32, #tpu.memory_space<vmem>> -> memref<1x25x80xi32, #tpu.memory_space<vmem>>
      %dma_wait3A_87 = tpu.memref_squeeze %dma_wait3A_86 : memref<1x25x80xi32, #tpu.memory_space<vmem>> -> memref<25x80xi32, #tpu.memory_space<vmem>>
      %dma_wait3A_88 = arith.constant 0 : i32
      %dma_wait3A_89 = arith.constant 0 : i32
      %dma_wait3A_90 = tpu.memref_slice %arg3[%arg0, %arg1, %run_scoped3A_59, %dma_wait3A_88, %dma_wait3A_89] : memref<2x16x5x25x80xi32, #tpu.memory_space<hbm>> -> memref<1x1x1x25x80xi32, #tpu.memory_space<hbm>>
      %dma_wait3A_91 = tpu.memref_squeeze %dma_wait3A_90 : memref<1x1x1x25x80xi32, #tpu.memory_space<hbm>> -> memref<25x80xi32, #tpu.memory_space<hbm>>
      %dma_wait3A_92 = arith.constant 0 : i32
      %dma_wait3A_93 = arith.constant 0 : i32
      %dma_wait3A_94 = tpu.memref_slice %arg8[%run_scoped3A_60, %dma_wait3A_92, %dma_wait3A_93] : memref<2x25x80xi32, #tpu.memory_space<vmem>> -> memref<1x25x80xi32, #tpu.memory_space<vmem>>
      %dma_wait3A_95 = tpu.memref_squeeze %dma_wait3A_94 : memref<1x25x80xi32, #tpu.memory_space<vmem>> -> memref<25x80xi32, #tpu.memory_space<vmem>>
      %dma_wait3A_96 = arith.constant 0 : i32
      %dma_wait3A_97 = arith.constant 0 : i32
      %dma_wait3A_98 = tpu.memref_slice %arg3[%arg0, %arg1, %run_scoped3A_59, %dma_wait3A_96, %dma_wait3A_97] : memref<2x16x5x25x80xi32, #tpu.memory_space<hbm>> -> memref<1x1x1x25x80xi32, #tpu.memory_space<hbm>>
      %dma_wait3A_99 = tpu.memref_squeeze %dma_wait3A_98 : memref<1x1x1x25x80xi32, #tpu.memory_space<hbm>> -> memref<25x80xi32, #tpu.memory_space<hbm>>
      tpu.wait_dma2 semaphore(%run_scoped3A_67 : memref<!tpu.dma_semaphore, #tpu.memory_space<semaphore_mem>>) src(%dma_wait3A_99 : memref<25x80xi32, #tpu.memory_space<hbm>>) dst(%dma_wait3A_95 : memref<25x80xi32, #tpu.memory_space<vmem>>)
      tpu.yield
    }) : () -> ()
    %scan3A = arith.constant 0 : i32
    %scan3A_61 = arith.constant 0 : i32
    %scan3A_62 = arith.constant 5 : i32
    %scan3A_63 = arith.addi %scan3A_61, %scan3A_62 : i32
    %scan3A_64 = arith.constant 1 : i32
    scf.for %scan3A_67 = %scan3A_61 to %scan3A_63 step %scan3A_64  : i32 {
      %rem3A = arith.constant 2 : i32
      %rem3A_68 = arith.remsi %scan3A_67, %rem3A : i32
      %add3A_69 = arith.constant 1 : i32
      %add3A_70 = arith.addi %scan3A_67, %add3A_69 : i32
      %rem3A_71 = arith.constant 2 : i32
      %rem3A_72 = arith.remsi %add3A_70, %rem3A_71 : i32
      %add3A_73 = arith.constant 1 : i32
      %add3A_74 = arith.addi %scan3A_67, %add3A_73 : i32
      %lt3A = arith.constant 5 : i32
      %lt3A_75 = arith.cmpi slt, %add3A_74, %lt3A : i32
      %convert_element_type3A = arith.extui %lt3A_75 : i1 to i32
      %cond3A = arith.constant 0 : i32
      %cond3A_76 = arith.cmpi ne, %convert_element_type3A, %cond3A : i32
      scf.if %cond3A_76 {
        %add3A_153 = arith.constant 1 : i32
        %add3A_154 = arith.addi %scan3A_67, %add3A_153 : i32
        %dma_start3A_155 = arith.constant 0 : i32
        %dma_start3A_156 = arith.constant 0 : i32
        %dma_start3A_157 = tpu.memref_slice %arg7[%rem3A_72, %dma_start3A_155, %dma_start3A_156] : memref<2x25x80xi32, #tpu.memory_space<vmem>> -> memref<1x25x80xi32, #tpu.memory_space<vmem>>
        %dma_start3A_158 = tpu.memref_squeeze %dma_start3A_157 : memref<1x25x80xi32, #tpu.memory_space<vmem>> -> memref<25x80xi32, #tpu.memory_space<vmem>>
        %dma_start3A_159 = arith.constant 0 : i32
        %dma_start3A_160 = arith.constant 0 : i32
        %dma_start3A_161 = tpu.memref_slice %arg2[%arg0, %arg1, %add3A_154, %dma_start3A_159, %dma_start3A_160] : memref<2x16x5x25x80xi32, #tpu.memory_space<hbm>> -> memref<1x1x1x25x80xi32, #tpu.memory_space<hbm>>
        %dma_start3A_162 = tpu.memref_squeeze %dma_start3A_161 : memref<1x1x1x25x80xi32, #tpu.memory_space<hbm>> -> memref<25x80xi32, #tpu.memory_space<hbm>>
        %dma_start3A_163 = arith.constant 0 : i32
        %dma_start3A_164 = arith.constant 0 : i32
        %dma_start3A_165 = tpu.memref_slice %arg7[%rem3A_72, %dma_start3A_163, %dma_start3A_164] : memref<2x25x80xi32, #tpu.memory_space<vmem>> -> memref<1x25x80xi32, #tpu.memory_space<vmem>>
        %dma_start3A_166 = tpu.memref_squeeze %dma_start3A_165 : memref<1x25x80xi32, #tpu.memory_space<vmem>> -> memref<25x80xi32, #tpu.memory_space<vmem>>
        %dma_start3A_167 = arith.constant 0 : i32
        %dma_start3A_168 = arith.constant 0 : i32
        %dma_start3A_169 = tpu.memref_slice %arg2[%arg0, %arg1, %add3A_154, %dma_start3A_167, %dma_start3A_168] : memref<2x16x5x25x80xi32, #tpu.memory_space<hbm>> -> memref<1x1x1x25x80xi32, #tpu.memory_space<hbm>>
        %dma_start3A_170 = tpu.memref_squeeze %dma_start3A_169 : memref<1x1x1x25x80xi32, #tpu.memory_space<hbm>> -> memref<25x80xi32, #tpu.memory_space<hbm>>
        tpu.enqueue_dma source(%dma_start3A_170 : memref<25x80xi32, #tpu.memory_space<hbm>>) target(%dma_start3A_166 : memref<25x80xi32, #tpu.memory_space<vmem>>) target_semaphore(%arg17 : memref<!tpu.dma_semaphore, #tpu.memory_space<semaphore_mem>>)
        %add3A_171 = arith.constant 1 : i32
        %add3A_172 = arith.addi %scan3A_67, %add3A_171 : i32
        %dma_start3A_173 = arith.constant 0 : i32
        %dma_start3A_174 = arith.constant 0 : i32
        %dma_start3A_175 = tpu.memref_slice %arg8[%rem3A_72, %dma_start3A_173, %dma_start3A_174] : memref<2x25x80xi32, #tpu.memory_space<vmem>> -> memref<1x25x80xi32, #tpu.memory_space<vmem>>
        %dma_start3A_176 = tpu.memref_squeeze %dma_start3A_175 : memref<1x25x80xi32, #tpu.memory_space<vmem>> -> memref<25x80xi32, #tpu.memory_space<vmem>>
        %dma_start3A_177 = arith.constant 0 : i32
        %dma_start3A_178 = arith.constant 0 : i32
        %dma_start3A_179 = tpu.memref_slice %arg3[%arg0, %arg1, %add3A_172, %dma_start3A_177, %dma_start3A_178] : memref<2x16x5x25x80xi32, #tpu.memory_space<hbm>> -> memref<1x1x1x25x80xi32, #tpu.memory_space<hbm>>
        %dma_start3A_180 = tpu.memref_squeeze %dma_start3A_179 : memref<1x1x1x25x80xi32, #tpu.memory_space<hbm>> -> memref<25x80xi32, #tpu.memory_space<hbm>>
        %dma_start3A_181 = arith.constant 0 : i32
        %dma_start3A_182 = arith.constant 0 : i32
        %dma_start3A_183 = tpu.memref_slice %arg8[%rem3A_72, %dma_start3A_181, %dma_start3A_182] : memref<2x25x80xi32, #tpu.memory_space<vmem>> -> memref<1x25x80xi32, #tpu.memory_space<vmem>>
        %dma_start3A_184 = tpu.memref_squeeze %dma_start3A_183 : memref<1x25x80xi32, #tpu.memory_space<vmem>> -> memref<25x80xi32, #tpu.memory_space<vmem>>
        %dma_start3A_185 = arith.constant 0 : i32
        %dma_start3A_186 = arith.constant 0 : i32
        %dma_start3A_187 = tpu.memref_slice %arg3[%arg0, %arg1, %add3A_172, %dma_start3A_185, %dma_start3A_186] : memref<2x16x5x25x80xi32, #tpu.memory_space<hbm>> -> memref<1x1x1x25x80xi32, #tpu.memory_space<hbm>>
        %dma_start3A_188 = tpu.memref_squeeze %dma_start3A_187 : memref<1x1x1x25x80xi32, #tpu.memory_space<hbm>> -> memref<25x80xi32, #tpu.memory_space<hbm>>
        tpu.enqueue_dma source(%dma_start3A_188 : memref<25x80xi32, #tpu.memory_space<hbm>>) target(%dma_start3A_184 : memref<25x80xi32, #tpu.memory_space<vmem>>) target_semaphore(%arg17 : memref<!tpu.dma_semaphore, #tpu.memory_space<semaphore_mem>>)
      } else {
      }
      %dma_start3A_77 = arith.constant 0 : i32
      %dma_start3A_78 = arith.constant 0 : i32
      %dma_start3A_79 = arith.constant 0 : i32
      %dma_start3A_80 = arith.constant 0 : i32
      %dma_start3A_81 = tpu.memref_slice %arg9[%dma_start3A_78, %dma_start3A_79, %dma_start3A_80] : memref<3x80x128xf32, #tpu.memory_space<vmem>> -> memref<1x80x128xf32, #tpu.memory_space<vmem>>
      %dma_start3A_82 = tpu.memref_squeeze %dma_start3A_81 : memref<1x80x128xf32, #tpu.memory_space<vmem>> -> memref<80x128xf32, #tpu.memory_space<vmem>>
      %dma_start3A_83 = arith.constant 0 : i32
      %dma_start3A_84 = tpu.memref_slice %arg7[%rem3A_68, %dma_start3A_77, %dma_start3A_83] : memref<2x25x80xi32, #tpu.memory_space<vmem>> -> memref<1x1x80xi32, #tpu.memory_space<vmem>>
      %dma_start3A_85 = tpu.memref_squeeze %dma_start3A_84 : memref<1x1x80xi32, #tpu.memory_space<vmem>> -> memref<80xi32, #tpu.memory_space<vmem>>
      %dma_start3A_86 = arith.constant 0 : i32
      %dma_start3A_87 = arith.constant 0 : i32
      %dma_start3A_88 = tpu.memref_slice %arg4[%dma_start3A_86, %dma_start3A_87] : memref<10000x128xf32, #tpu.memory_space<hbm>> -> memref<10000x128xf32, #tpu.memory_space<hbm>>
      tpu.enqueue_indirect_dma source(%dma_start3A_88 : memref<10000x128xf32, #tpu.memory_space<hbm>>) target(%dma_start3A_82 : memref<80x128xf32, #tpu.memory_space<vmem>>) offsets(%dma_start3A_85 : memref<80xi32, #tpu.memory_space<vmem>>) semaphore(%arg11 : memref<!tpu.dma_semaphore, #tpu.memory_space<semaphore_mem>>)
      %dma_start3A_89 = arith.constant 1 : i32
      %dma_start3A_90 = arith.constant 1 : i32
      %dma_start3A_91 = arith.constant 0 : i32
      %dma_start3A_92 = arith.constant 0 : i32
      %dma_start3A_93 = tpu.memref_slice %arg9[%dma_start3A_90, %dma_start3A_91, %dma_start3A_92] : memref<3x80x128xf32, #tpu.memory_space<vmem>> -> memref<1x80x128xf32, #tpu.memory_space<vmem>>
      %dma_start3A_94 = tpu.memref_squeeze %dma_start3A_93 : memref<1x80x128xf32, #tpu.memory_space<vmem>> -> memref<80x128xf32, #tpu.memory_space<vmem>>
      %dma_start3A_95 = arith.constant 0 : i32
      %dma_start3A_96 = tpu.memref_slice %arg7[%rem3A_68, %dma_start3A_89, %dma_start3A_95] : memref<2x25x80xi32, #tpu.memory_space<vmem>> -> memref<1x1x80xi32, #tpu.memory_space<vmem>>
      %dma_start3A_97 = tpu.memref_squeeze %dma_start3A_96 : memref<1x1x80xi32, #tpu.memory_space<vmem>> -> memref<80xi32, #tpu.memory_space<vmem>>
      %dma_start3A_98 = arith.constant 0 : i32
      %dma_start3A_99 = arith.constant 0 : i32
      %dma_start3A_100 = tpu.memref_slice %arg4[%dma_start3A_98, %dma_start3A_99] : memref<10000x128xf32, #tpu.memory_space<hbm>> -> memref<10000x128xf32, #tpu.memory_space<hbm>>
      tpu.enqueue_indirect_dma source(%dma_start3A_100 : memref<10000x128xf32, #tpu.memory_space<hbm>>) target(%dma_start3A_94 : memref<80x128xf32, #tpu.memory_space<vmem>>) offsets(%dma_start3A_97 : memref<80xi32, #tpu.memory_space<vmem>>) semaphore(%arg12 : memref<!tpu.dma_semaphore, #tpu.memory_space<semaphore_mem>>)
      %scan3A_101 = arith.constant 0 : i32
      %scan3A_102 = arith.constant 0 : i32
      %scan3A_103 = arith.constant 25 : i32
      %scan3A_104 = arith.addi %scan3A_102, %scan3A_103 : i32
      %scan3A_105 = arith.constant 1 : i32
      scf.for %scan3A_153 = %scan3A_102 to %scan3A_104 step %scan3A_105  : i32 {
        %rem3A_154 = arith.constant 3 : i32
        %rem3A_155 = arith.remsi %scan3A_153, %rem3A_154 : i32
        %eq3A = arith.constant 0 : i32
        %eq3A_156 = arith.cmpi eq, %rem3A_155, %eq3A : i32
        %convert_element_type3A_157 = arith.extui %eq3A_156 : i1 to i32
        %cond3A_158 = arith.constant 0 : i32
        %cond3A_159 = arith.cmpi ne, %convert_element_type3A_157, %cond3A_158 : i32
        scf.if %cond3A_159 {
          %dma_wait3A_177 = arith.constant 0 : i32
          %dma_wait3A_178 = arith.constant 0 : i32
          %dma_wait3A_179 = arith.constant 0 : i32
          %dma_wait3A_180 = arith.constant 0 : i32
          %dma_wait3A_181 = arith.constant 0 : i32
          %dma_wait3A_182 = tpu.memref_slice %arg9[%dma_wait3A_179, %dma_wait3A_180, %dma_wait3A_181] : memref<3x80x128xf32, #tpu.memory_space<vmem>> -> memref<1x80x128xf32, #tpu.memory_space<vmem>>
          %dma_wait3A_183 = tpu.memref_squeeze %dma_wait3A_182 : memref<1x80x128xf32, #tpu.memory_space<vmem>> -> memref<80x128xf32, #tpu.memory_space<vmem>>
          %dma_wait3A_184 = arith.constant 0 : i32
          %dma_wait3A_185 = tpu.memref_slice %arg7[%dma_wait3A_177, %dma_wait3A_178, %dma_wait3A_184] : memref<2x25x80xi32, #tpu.memory_space<vmem>> -> memref<1x1x80xi32, #tpu.memory_space<vmem>>
          %dma_wait3A_186 = tpu.memref_squeeze %dma_wait3A_185 : memref<1x1x80xi32, #tpu.memory_space<vmem>> -> memref<80xi32, #tpu.memory_space<vmem>>
          %dma_wait3A_187 = arith.constant 0 : i32
          %dma_wait3A_188 = arith.constant 0 : i32
          %dma_wait3A_189 = tpu.memref_slice %arg4[%dma_wait3A_187, %dma_wait3A_188] : memref<10000x128xf32, #tpu.memory_space<hbm>> -> memref<10000x128xf32, #tpu.memory_space<hbm>>
          tpu.wait_indirect_dma semaphore(%arg11 : memref<!tpu.dma_semaphore, #tpu.memory_space<semaphore_mem>>) src(%dma_wait3A_189 : memref<10000x128xf32, #tpu.memory_space<hbm>>) dst(%dma_wait3A_183 : memref<80x128xf32, #tpu.memory_space<vmem>>)
          %dma_start3A_190 = arith.constant 0 : i32
          %dma_start3A_191 = arith.constant 0 : i32
          %dma_start3A_192 = arith.constant 0 : i32
          %dma_start3A_193 = tpu.memref_slice %arg9[%dma_start3A_190, %dma_start3A_191, %dma_start3A_192] : memref<3x80x128xf32, #tpu.memory_space<vmem>> -> memref<1x80x128xf32, #tpu.memory_space<vmem>>
          %dma_start3A_194 = tpu.memref_squeeze %dma_start3A_193 : memref<1x80x128xf32, #tpu.memory_space<vmem>> -> memref<80x128xf32, #tpu.memory_space<vmem>>
          %dma_start3A_195 = arith.constant 0 : i32
          %dma_start3A_196 = tpu.memref_slice %arg8[%rem3A_68, %scan3A_153, %dma_start3A_195] : memref<2x25x80xi32, #tpu.memory_space<vmem>> -> memref<1x1x80xi32, #tpu.memory_space<vmem>>
          %dma_start3A_197 = tpu.memref_squeeze %dma_start3A_196 : memref<1x1x80xi32, #tpu.memory_space<vmem>> -> memref<80xi32, #tpu.memory_space<vmem>>
          %dma_start3A_198 = arith.constant 0 : i32
          %dma_start3A_199 = arith.constant 0 : i32
          %dma_start3A_200 = tpu.memref_slice %arg10[%dma_start3A_198, %dma_start3A_199] : memref<10240x128xf32, #tpu.memory_space<vmem_shared>> -> memref<10240x128xf32, #tpu.memory_space<vmem_shared>>
          tpu.enqueue_indirect_dma source(%dma_start3A_194 : memref<80x128xf32, #tpu.memory_space<vmem>>) target(%dma_start3A_200 : memref<10240x128xf32, #tpu.memory_space<vmem_shared>>) offsets(%dma_start3A_197 : memref<80xi32, #tpu.memory_space<vmem>>) semaphore(%arg14 : memref<!tpu.dma_semaphore, #tpu.memory_space<semaphore_mem>>) {add = true}
        } else {
        }
        %eq3A_160 = arith.constant 1 : i32
        %eq3A_161 = arith.cmpi eq, %rem3A_155, %eq3A_160 : i32
        %convert_element_type3A_162 = arith.extui %eq3A_161 : i1 to i32
        %cond3A_163 = arith.constant 0 : i32
        %cond3A_164 = arith.cmpi ne, %convert_element_type3A_162, %cond3A_163 : i32
        scf.if %cond3A_164 {
          %dma_wait3A_177 = arith.constant 0 : i32
          %dma_wait3A_178 = arith.constant 0 : i32
          %dma_wait3A_179 = arith.constant 1 : i32
          %dma_wait3A_180 = arith.constant 0 : i32
          %dma_wait3A_181 = arith.constant 0 : i32
          %dma_wait3A_182 = tpu.memref_slice %arg9[%dma_wait3A_179, %dma_wait3A_180, %dma_wait3A_181] : memref<3x80x128xf32, #tpu.memory_space<vmem>> -> memref<1x80x128xf32, #tpu.memory_space<vmem>>
          %dma_wait3A_183 = tpu.memref_squeeze %dma_wait3A_182 : memref<1x80x128xf32, #tpu.memory_space<vmem>> -> memref<80x128xf32, #tpu.memory_space<vmem>>
          %dma_wait3A_184 = arith.constant 0 : i32
          %dma_wait3A_185 = tpu.memref_slice %arg7[%dma_wait3A_177, %dma_wait3A_178, %dma_wait3A_184] : memref<2x25x80xi32, #tpu.memory_space<vmem>> -> memref<1x1x80xi32, #tpu.memory_space<vmem>>
          %dma_wait3A_186 = tpu.memref_squeeze %dma_wait3A_185 : memref<1x1x80xi32, #tpu.memory_space<vmem>> -> memref<80xi32, #tpu.memory_space<vmem>>
          %dma_wait3A_187 = arith.constant 0 : i32
          %dma_wait3A_188 = arith.constant 0 : i32
          %dma_wait3A_189 = tpu.memref_slice %arg4[%dma_wait3A_187, %dma_wait3A_188] : memref<10000x128xf32, #tpu.memory_space<hbm>> -> memref<10000x128xf32, #tpu.memory_space<hbm>>
          tpu.wait_indirect_dma semaphore(%arg12 : memref<!tpu.dma_semaphore, #tpu.memory_space<semaphore_mem>>) src(%dma_wait3A_189 : memref<10000x128xf32, #tpu.memory_space<hbm>>) dst(%dma_wait3A_183 : memref<80x128xf32, #tpu.memory_space<vmem>>)
          %dma_start3A_190 = arith.constant 1 : i32
          %dma_start3A_191 = arith.constant 0 : i32
          %dma_start3A_192 = arith.constant 0 : i32
          %dma_start3A_193 = tpu.memref_slice %arg9[%dma_start3A_190, %dma_start3A_191, %dma_start3A_192] : memref<3x80x128xf32, #tpu.memory_space<vmem>> -> memref<1x80x128xf32, #tpu.memory_space<vmem>>
          %dma_start3A_194 = tpu.memref_squeeze %dma_start3A_193 : memref<1x80x128xf32, #tpu.memory_space<vmem>> -> memref<80x128xf32, #tpu.memory_space<vmem>>
          %dma_start3A_195 = arith.constant 0 : i32
          %dma_start3A_196 = tpu.memref_slice %arg8[%rem3A_68, %scan3A_153, %dma_start3A_195] : memref<2x25x80xi32, #tpu.memory_space<vmem>> -> memref<1x1x80xi32, #tpu.memory_space<vmem>>
          %dma_start3A_197 = tpu.memref_squeeze %dma_start3A_196 : memref<1x1x80xi32, #tpu.memory_space<vmem>> -> memref<80xi32, #tpu.memory_space<vmem>>
          %dma_start3A_198 = arith.constant 0 : i32
          %dma_start3A_199 = arith.constant 0 : i32
          %dma_start3A_200 = tpu.memref_slice %arg10[%dma_start3A_198, %dma_start3A_199] : memref<10240x128xf32, #tpu.memory_space<vmem_shared>> -> memref<10240x128xf32, #tpu.memory_space<vmem_shared>>
          tpu.enqueue_indirect_dma source(%dma_start3A_194 : memref<80x128xf32, #tpu.memory_space<vmem>>) target(%dma_start3A_200 : memref<10240x128xf32, #tpu.memory_space<vmem_shared>>) offsets(%dma_start3A_197 : memref<80xi32, #tpu.memory_space<vmem>>) semaphore(%arg15 : memref<!tpu.dma_semaphore, #tpu.memory_space<semaphore_mem>>) {add = true}
        } else {
        }
        %eq3A_165 = arith.constant 2 : i32
        %eq3A_166 = arith.cmpi eq, %rem3A_155, %eq3A_165 : i32
        %convert_element_type3A_167 = arith.extui %eq3A_166 : i1 to i32
        %cond3A_168 = arith.constant 0 : i32
        %cond3A_169 = arith.cmpi ne, %convert_element_type3A_167, %cond3A_168 : i32
        scf.if %cond3A_169 {
          %dma_wait3A_177 = arith.constant 0 : i32
          %dma_wait3A_178 = arith.constant 0 : i32
          %dma_wait3A_179 = arith.constant 2 : i32
          %dma_wait3A_180 = arith.constant 0 : i32
          %dma_wait3A_181 = arith.constant 0 : i32
          %dma_wait3A_182 = tpu.memref_slice %arg9[%dma_wait3A_179, %dma_wait3A_180, %dma_wait3A_181] : memref<3x80x128xf32, #tpu.memory_space<vmem>> -> memref<1x80x128xf32, #tpu.memory_space<vmem>>
          %dma_wait3A_183 = tpu.memref_squeeze %dma_wait3A_182 : memref<1x80x128xf32, #tpu.memory_space<vmem>> -> memref<80x128xf32, #tpu.memory_space<vmem>>
          %dma_wait3A_184 = arith.constant 0 : i32
          %dma_wait3A_185 = tpu.memref_slice %arg7[%dma_wait3A_177, %dma_wait3A_178, %dma_wait3A_184] : memref<2x25x80xi32, #tpu.memory_space<vmem>> -> memref<1x1x80xi32, #tpu.memory_space<vmem>>
          %dma_wait3A_186 = tpu.memref_squeeze %dma_wait3A_185 : memref<1x1x80xi32, #tpu.memory_space<vmem>> -> memref<80xi32, #tpu.memory_space<vmem>>
          %dma_wait3A_187 = arith.constant 0 : i32
          %dma_wait3A_188 = arith.constant 0 : i32
          %dma_wait3A_189 = tpu.memref_slice %arg4[%dma_wait3A_187, %dma_wait3A_188] : memref<10000x128xf32, #tpu.memory_space<hbm>> -> memref<10000x128xf32, #tpu.memory_space<hbm>>
          tpu.wait_indirect_dma semaphore(%arg13 : memref<!tpu.dma_semaphore, #tpu.memory_space<semaphore_mem>>) src(%dma_wait3A_189 : memref<10000x128xf32, #tpu.memory_space<hbm>>) dst(%dma_wait3A_183 : memref<80x128xf32, #tpu.memory_space<vmem>>)
          %dma_start3A_190 = arith.constant 2 : i32
          %dma_start3A_191 = arith.constant 0 : i32
          %dma_start3A_192 = arith.constant 0 : i32
          %dma_start3A_193 = tpu.memref_slice %arg9[%dma_start3A_190, %dma_start3A_191, %dma_start3A_192] : memref<3x80x128xf32, #tpu.memory_space<vmem>> -> memref<1x80x128xf32, #tpu.memory_space<vmem>>
          %dma_start3A_194 = tpu.memref_squeeze %dma_start3A_193 : memref<1x80x128xf32, #tpu.memory_space<vmem>> -> memref<80x128xf32, #tpu.memory_space<vmem>>
          %dma_start3A_195 = arith.constant 0 : i32
          %dma_start3A_196 = tpu.memref_slice %arg8[%rem3A_68, %scan3A_153, %dma_start3A_195] : memref<2x25x80xi32, #tpu.memory_space<vmem>> -> memref<1x1x80xi32, #tpu.memory_space<vmem>>
          %dma_start3A_197 = tpu.memref_squeeze %dma_start3A_196 : memref<1x1x80xi32, #tpu.memory_space<vmem>> -> memref<80xi32, #tpu.memory_space<vmem>>
          %dma_start3A_198 = arith.constant 0 : i32
          %dma_start3A_199 = arith.constant 0 : i32
          %dma_start3A_200 = tpu.memref_slice %arg10[%dma_start3A_198, %dma_start3A_199] : memref<10240x128xf32, #tpu.memory_space<vmem_shared>> -> memref<10240x128xf32, #tpu.memory_space<vmem_shared>>
          tpu.enqueue_indirect_dma source(%dma_start3A_194 : memref<80x128xf32, #tpu.memory_space<vmem>>) target(%dma_start3A_200 : memref<10240x128xf32, #tpu.memory_space<vmem_shared>>) offsets(%dma_start3A_197 : memref<80xi32, #tpu.memory_space<vmem>>) semaphore(%arg16 : memref<!tpu.dma_semaphore, #tpu.memory_space<semaphore_mem>>) {add = true}
        } else {
        }
        %add3A_170 = arith.constant 2 : i32
        %add3A_171 = arith.addi %scan3A_153, %add3A_170 : i32
        %lt3A_172 = arith.constant 25 : i32
        %lt3A_173 = arith.cmpi slt, %add3A_171, %lt3A_172 : i32
        %convert_element_type3A_174 = arith.extui %lt3A_173 : i1 to i32
        %cond3A_175 = arith.constant 0 : i32
        %cond3A_176 = arith.cmpi ne, %convert_element_type3A_174, %cond3A_175 : i32
        scf.if %cond3A_176 {
          %add3A_177 = arith.constant 2 : i32
          %add3A_178 = arith.addi %scan3A_153, %add3A_177 : i32
          %rem3A_179 = arith.constant 3 : i32
          %rem3A_180 = arith.remsi %add3A_178, %rem3A_179 : i32
          %eq3A_181 = arith.constant 0 : i32
          %eq3A_182 = arith.cmpi eq, %rem3A_180, %eq3A_181 : i32
          %convert_element_type3A_183 = arith.extui %eq3A_182 : i1 to i32
          %cond3A_184 = arith.constant 0 : i32
          %cond3A_185 = arith.cmpi ne, %convert_element_type3A_183, %cond3A_184 : i32
          scf.if %cond3A_185 {
            %ge3A = arith.constant 1 : i32
            %ge3A_196 = arith.cmpi sge, %scan3A_153, %ge3A : i32
            %convert_element_type3A_197 = arith.extui %ge3A_196 : i1 to i32
            %cond3A_198 = arith.constant 0 : i32
            %cond3A_199 = arith.cmpi ne, %convert_element_type3A_197, %cond3A_198 : i32
            scf.if %cond3A_199 {
              %dma_wait3A_213 = arith.constant 0 : i32
              %dma_wait3A_214 = arith.constant 0 : i32
              %dma_wait3A_215 = arith.constant 0 : i32
              %dma_wait3A_216 = arith.constant 0 : i32
              %dma_wait3A_217 = arith.constant 0 : i32
              %dma_wait3A_218 = tpu.memref_slice %arg9[%dma_wait3A_213, %dma_wait3A_216, %dma_wait3A_217] : memref<3x80x128xf32, #tpu.memory_space<vmem>> -> memref<1x80x128xf32, #tpu.memory_space<vmem>>
              %dma_wait3A_219 = tpu.memref_squeeze %dma_wait3A_218 : memref<1x80x128xf32, #tpu.memory_space<vmem>> -> memref<80x128xf32, #tpu.memory_space<vmem>>
              %dma_wait3A_220 = arith.constant 0 : i32
              %dma_wait3A_221 = tpu.memref_slice %arg8[%dma_wait3A_214, %dma_wait3A_215, %dma_wait3A_220] : memref<2x25x80xi32, #tpu.memory_space<vmem>> -> memref<1x1x80xi32, #tpu.memory_space<vmem>>
              %dma_wait3A_222 = tpu.memref_squeeze %dma_wait3A_221 : memref<1x1x80xi32, #tpu.memory_space<vmem>> -> memref<80xi32, #tpu.memory_space<vmem>>
              %dma_wait3A_223 = arith.constant 0 : i32
              %dma_wait3A_224 = arith.constant 0 : i32
              %dma_wait3A_225 = tpu.memref_slice %arg10[%dma_wait3A_223, %dma_wait3A_224] : memref<10240x128xf32, #tpu.memory_space<vmem_shared>> -> memref<10240x128xf32, #tpu.memory_space<vmem_shared>>
              tpu.wait_indirect_dma semaphore(%arg14 : memref<!tpu.dma_semaphore, #tpu.memory_space<semaphore_mem>>) src(%dma_wait3A_219 : memref<80x128xf32, #tpu.memory_space<vmem>>) dst(%dma_wait3A_225 : memref<10240x128xf32, #tpu.memory_space<vmem_shared>>)
            } else {
            }
            %add3A_200 = arith.constant 2 : i32
            %add3A_201 = arith.addi %scan3A_153, %add3A_200 : i32
            %dma_start3A_202 = arith.constant 0 : i32
            %dma_start3A_203 = arith.constant 0 : i32
            %dma_start3A_204 = arith.constant 0 : i32
            %dma_start3A_205 = tpu.memref_slice %arg9[%dma_start3A_202, %dma_start3A_203, %dma_start3A_204] : memref<3x80x128xf32, #tpu.memory_space<vmem>> -> memref<1x80x128xf32, #tpu.memory_space<vmem>>
            %dma_start3A_206 = tpu.memref_squeeze %dma_start3A_205 : memref<1x80x128xf32, #tpu.memory_space<vmem>> -> memref<80x128xf32, #tpu.memory_space<vmem>>
            %dma_start3A_207 = arith.constant 0 : i32
            %dma_start3A_208 = tpu.memref_slice %arg7[%rem3A_68, %add3A_201, %dma_start3A_207] : memref<2x25x80xi32, #tpu.memory_space<vmem>> -> memref<1x1x80xi32, #tpu.memory_space<vmem>>
            %dma_start3A_209 = tpu.memref_squeeze %dma_start3A_208 : memref<1x1x80xi32, #tpu.memory_space<vmem>> -> memref<80xi32, #tpu.memory_space<vmem>>
            %dma_start3A_210 = arith.constant 0 : i32
            %dma_start3A_211 = arith.constant 0 : i32
            %dma_start3A_212 = tpu.memref_slice %arg4[%dma_start3A_210, %dma_start3A_211] : memref<10000x128xf32, #tpu.memory_space<hbm>> -> memref<10000x128xf32, #tpu.memory_space<hbm>>
            tpu.enqueue_indirect_dma source(%dma_start3A_212 : memref<10000x128xf32, #tpu.memory_space<hbm>>) target(%dma_start3A_206 : memref<80x128xf32, #tpu.memory_space<vmem>>) offsets(%dma_start3A_209 : memref<80xi32, #tpu.memory_space<vmem>>) semaphore(%arg11 : memref<!tpu.dma_semaphore, #tpu.memory_space<semaphore_mem>>)
          } else {
          }
          %eq3A_186 = arith.constant 1 : i32
          %eq3A_187 = arith.cmpi eq, %rem3A_180, %eq3A_186 : i32
          %convert_element_type3A_188 = arith.extui %eq3A_187 : i1 to i32
          %cond3A_189 = arith.constant 0 : i32
          %cond3A_190 = arith.cmpi ne, %convert_element_type3A_188, %cond3A_189 : i32
          scf.if %cond3A_190 {
            %ge3A = arith.constant 1 : i32
            %ge3A_196 = arith.cmpi sge, %scan3A_153, %ge3A : i32
            %convert_element_type3A_197 = arith.extui %ge3A_196 : i1 to i32
            %cond3A_198 = arith.constant 0 : i32
            %cond3A_199 = arith.cmpi ne, %convert_element_type3A_197, %cond3A_198 : i32
            scf.if %cond3A_199 {
              %dma_wait3A_213 = arith.constant 1 : i32
              %dma_wait3A_214 = arith.constant 0 : i32
              %dma_wait3A_215 = arith.constant 0 : i32
              %dma_wait3A_216 = arith.constant 0 : i32
              %dma_wait3A_217 = arith.constant 0 : i32
              %dma_wait3A_218 = tpu.memref_slice %arg9[%dma_wait3A_213, %dma_wait3A_216, %dma_wait3A_217] : memref<3x80x128xf32, #tpu.memory_space<vmem>> -> memref<1x80x128xf32, #tpu.memory_space<vmem>>
              %dma_wait3A_219 = tpu.memref_squeeze %dma_wait3A_218 : memref<1x80x128xf32, #tpu.memory_space<vmem>> -> memref<80x128xf32, #tpu.memory_space<vmem>>
              %dma_wait3A_220 = arith.constant 0 : i32
              %dma_wait3A_221 = tpu.memref_slice %arg8[%dma_wait3A_214, %dma_wait3A_215, %dma_wait3A_220] : memref<2x25x80xi32, #tpu.memory_space<vmem>> -> memref<1x1x80xi32, #tpu.memory_space<vmem>>
              %dma_wait3A_222 = tpu.memref_squeeze %dma_wait3A_221 : memref<1x1x80xi32, #tpu.memory_space<vmem>> -> memref<80xi32, #tpu.memory_space<vmem>>
              %dma_wait3A_223 = arith.constant 0 : i32
              %dma_wait3A_224 = arith.constant 0 : i32
              %dma_wait3A_225 = tpu.memref_slice %arg10[%dma_wait3A_223, %dma_wait3A_224] : memref<10240x128xf32, #tpu.memory_space<vmem_shared>> -> memref<10240x128xf32, #tpu.memory_space<vmem_shared>>
              tpu.wait_indirect_dma semaphore(%arg15 : memref<!tpu.dma_semaphore, #tpu.memory_space<semaphore_mem>>) src(%dma_wait3A_219 : memref<80x128xf32, #tpu.memory_space<vmem>>) dst(%dma_wait3A_225 : memref<10240x128xf32, #tpu.memory_space<vmem_shared>>)
            } else {
            }
            %add3A_200 = arith.constant 2 : i32
            %add3A_201 = arith.addi %scan3A_153, %add3A_200 : i32
            %dma_start3A_202 = arith.constant 1 : i32
            %dma_start3A_203 = arith.constant 0 : i32
            %dma_start3A_204 = arith.constant 0 : i32
            %dma_start3A_205 = tpu.memref_slice %arg9[%dma_start3A_202, %dma_start3A_203, %dma_start3A_204] : memref<3x80x128xf32, #tpu.memory_space<vmem>> -> memref<1x80x128xf32, #tpu.memory_space<vmem>>
            %dma_start3A_206 = tpu.memref_squeeze %dma_start3A_205 : memref<1x80x128xf32, #tpu.memory_space<vmem>> -> memref<80x128xf32, #tpu.memory_space<vmem>>
            %dma_start3A_207 = arith.constant 0 : i32
            %dma_start3A_208 = tpu.memref_slice %arg7[%rem3A_68, %add3A_201, %dma_start3A_207] : memref<2x25x80xi32, #tpu.memory_space<vmem>> -> memref<1x1x80xi32, #tpu.memory_space<vmem>>
            %dma_start3A_209 = tpu.memref_squeeze %dma_start3A_208 : memref<1x1x80xi32, #tpu.memory_space<vmem>> -> memref<80xi32, #tpu.memory_space<vmem>>
            %dma_start3A_210 = arith.constant 0 : i32
            %dma_start3A_211 = arith.constant 0 : i32
            %dma_start3A_212 = tpu.memref_slice %arg4[%dma_start3A_210, %dma_start3A_211] : memref<10000x128xf32, #tpu.memory_space<hbm>> -> memref<10000x128xf32, #tpu.memory_space<hbm>>
            tpu.enqueue_indirect_dma source(%dma_start3A_212 : memref<10000x128xf32, #tpu.memory_space<hbm>>) target(%dma_start3A_206 : memref<80x128xf32, #tpu.memory_space<vmem>>) offsets(%dma_start3A_209 : memref<80xi32, #tpu.memory_space<vmem>>) semaphore(%arg12 : memref<!tpu.dma_semaphore, #tpu.memory_space<semaphore_mem>>)
          } else {
          }
          %eq3A_191 = arith.constant 2 : i32
          %eq3A_192 = arith.cmpi eq, %rem3A_180, %eq3A_191 : i32
          %convert_element_type3A_193 = arith.extui %eq3A_192 : i1 to i32
          %cond3A_194 = arith.constant 0 : i32
          %cond3A_195 = arith.cmpi ne, %convert_element_type3A_193, %cond3A_194 : i32
          scf.if %cond3A_195 {
            %ge3A = arith.constant 1 : i32
            %ge3A_196 = arith.cmpi sge, %scan3A_153, %ge3A : i32
            %convert_element_type3A_197 = arith.extui %ge3A_196 : i1 to i32
            %cond3A_198 = arith.constant 0 : i32
            %cond3A_199 = arith.cmpi ne, %convert_element_type3A_197, %cond3A_198 : i32
            scf.if %cond3A_199 {
              %dma_wait3A_213 = arith.constant 2 : i32
              %dma_wait3A_214 = arith.constant 0 : i32
              %dma_wait3A_215 = arith.constant 0 : i32
              %dma_wait3A_216 = arith.constant 0 : i32
              %dma_wait3A_217 = arith.constant 0 : i32
              %dma_wait3A_218 = tpu.memref_slice %arg9[%dma_wait3A_213, %dma_wait3A_216, %dma_wait3A_217] : memref<3x80x128xf32, #tpu.memory_space<vmem>> -> memref<1x80x128xf32, #tpu.memory_space<vmem>>
              %dma_wait3A_219 = tpu.memref_squeeze %dma_wait3A_218 : memref<1x80x128xf32, #tpu.memory_space<vmem>> -> memref<80x128xf32, #tpu.memory_space<vmem>>
              %dma_wait3A_220 = arith.constant 0 : i32
              %dma_wait3A_221 = tpu.memref_slice %arg8[%dma_wait3A_214, %dma_wait3A_215, %dma_wait3A_220] : memref<2x25x80xi32, #tpu.memory_space<vmem>> -> memref<1x1x80xi32, #tpu.memory_space<vmem>>
              %dma_wait3A_222 = tpu.memref_squeeze %dma_wait3A_221 : memref<1x1x80xi32, #tpu.memory_space<vmem>> -> memref<80xi32, #tpu.memory_space<vmem>>
              %dma_wait3A_223 = arith.constant 0 : i32
              %dma_wait3A_224 = arith.constant 0 : i32
              %dma_wait3A_225 = tpu.memref_slice %arg10[%dma_wait3A_223, %dma_wait3A_224] : memref<10240x128xf32, #tpu.memory_space<vmem_shared>> -> memref<10240x128xf32, #tpu.memory_space<vmem_shared>>
              tpu.wait_indirect_dma semaphore(%arg16 : memref<!tpu.dma_semaphore, #tpu.memory_space<semaphore_mem>>) src(%dma_wait3A_219 : memref<80x128xf32, #tpu.memory_space<vmem>>) dst(%dma_wait3A_225 : memref<10240x128xf32, #tpu.memory_space<vmem_shared>>)
            } else {
            }
            %add3A_200 = arith.constant 2 : i32
            %add3A_201 = arith.addi %scan3A_153, %add3A_200 : i32
            %dma_start3A_202 = arith.constant 2 : i32
            %dma_start3A_203 = arith.constant 0 : i32
            %dma_start3A_204 = arith.constant 0 : i32
            %dma_start3A_205 = tpu.memref_slice %arg9[%dma_start3A_202, %dma_start3A_203, %dma_start3A_204] : memref<3x80x128xf32, #tpu.memory_space<vmem>> -> memref<1x80x128xf32, #tpu.memory_space<vmem>>
            %dma_start3A_206 = tpu.memref_squeeze %dma_start3A_205 : memref<1x80x128xf32, #tpu.memory_space<vmem>> -> memref<80x128xf32, #tpu.memory_space<vmem>>
            %dma_start3A_207 = arith.constant 0 : i32
            %dma_start3A_208 = tpu.memref_slice %arg7[%rem3A_68, %add3A_201, %dma_start3A_207] : memref<2x25x80xi32, #tpu.memory_space<vmem>> -> memref<1x1x80xi32, #tpu.memory_space<vmem>>
            %dma_start3A_209 = tpu.memref_squeeze %dma_start3A_208 : memref<1x1x80xi32, #tpu.memory_space<vmem>> -> memref<80xi32, #tpu.memory_space<vmem>>
            %dma_start3A_210 = arith.constant 0 : i32
            %dma_start3A_211 = arith.constant 0 : i32
            %dma_start3A_212 = tpu.memref_slice %arg4[%dma_start3A_210, %dma_start3A_211] : memref<10000x128xf32, #tpu.memory_space<hbm>> -> memref<10000x128xf32, #tpu.memory_space<hbm>>
            tpu.enqueue_indirect_dma source(%dma_start3A_212 : memref<10000x128xf32, #tpu.memory_space<hbm>>) target(%dma_start3A_206 : memref<80x128xf32, #tpu.memory_space<vmem>>) offsets(%dma_start3A_209 : memref<80xi32, #tpu.memory_space<vmem>>) semaphore(%arg13 : memref<!tpu.dma_semaphore, #tpu.memory_space<semaphore_mem>>)
          } else {
          }
        } else {
        }
      }
      %scan3A_106 = arith.constant 25 : i32
      %dma_wait3A_107 = arith.constant 0 : i32
      %dma_wait3A_108 = arith.constant 0 : i32
      %dma_wait3A_109 = arith.constant 0 : i32
      %dma_wait3A_110 = arith.constant 0 : i32
      %dma_wait3A_111 = arith.constant 0 : i32
      %dma_wait3A_112 = tpu.memref_slice %arg9[%dma_wait3A_107, %dma_wait3A_110, %dma_wait3A_111] : memref<3x80x128xf32, #tpu.memory_space<vmem>> -> memref<1x80x128xf32, #tpu.memory_space<vmem>>
      %dma_wait3A_113 = tpu.memref_squeeze %dma_wait3A_112 : memref<1x80x128xf32, #tpu.memory_space<vmem>> -> memref<80x128xf32, #tpu.memory_space<vmem>>
      %dma_wait3A_114 = arith.constant 0 : i32
      %dma_wait3A_115 = tpu.memref_slice %arg8[%dma_wait3A_108, %dma_wait3A_109, %dma_wait3A_114] : memref<2x25x80xi32, #tpu.memory_space<vmem>> -> memref<1x1x80xi32, #tpu.memory_space<vmem>>
      %dma_wait3A_116 = tpu.memref_squeeze %dma_wait3A_115 : memref<1x1x80xi32, #tpu.memory_space<vmem>> -> memref<80xi32, #tpu.memory_space<vmem>>
      %dma_wait3A_117 = arith.constant 0 : i32
      %dma_wait3A_118 = arith.constant 0 : i32
      %dma_wait3A_119 = tpu.memref_slice %arg10[%dma_wait3A_117, %dma_wait3A_118] : memref<10240x128xf32, #tpu.memory_space<vmem_shared>> -> memref<10240x128xf32, #tpu.memory_space<vmem_shared>>
      tpu.wait_indirect_dma semaphore(%arg14 : memref<!tpu.dma_semaphore, #tpu.memory_space<semaphore_mem>>) src(%dma_wait3A_113 : memref<80x128xf32, #tpu.memory_space<vmem>>) dst(%dma_wait3A_119 : memref<10240x128xf32, #tpu.memory_space<vmem_shared>>)
      %dma_wait3A_120 = arith.constant 1 : i32
      %dma_wait3A_121 = arith.constant 0 : i32
      %dma_wait3A_122 = arith.constant 0 : i32
      %dma_wait3A_123 = arith.constant 0 : i32
      %dma_wait3A_124 = arith.constant 0 : i32
      %dma_wait3A_125 = tpu.memref_slice %arg9[%dma_wait3A_120, %dma_wait3A_123, %dma_wait3A_124] : memref<3x80x128xf32, #tpu.memory_space<vmem>> -> memref<1x80x128xf32, #tpu.memory_space<vmem>>
      %dma_wait3A_126 = tpu.memref_squeeze %dma_wait3A_125 : memref<1x80x128xf32, #tpu.memory_space<vmem>> -> memref<80x128xf32, #tpu.memory_space<vmem>>
      %dma_wait3A_127 = arith.constant 0 : i32
      %dma_wait3A_128 = tpu.memref_slice %arg8[%dma_wait3A_121, %dma_wait3A_122, %dma_wait3A_127] : memref<2x25x80xi32, #tpu.memory_space<vmem>> -> memref<1x1x80xi32, #tpu.memory_space<vmem>>
      %dma_wait3A_129 = tpu.memref_squeeze %dma_wait3A_128 : memref<1x1x80xi32, #tpu.memory_space<vmem>> -> memref<80xi32, #tpu.memory_space<vmem>>
      %dma_wait3A_130 = arith.constant 0 : i32
      %dma_wait3A_131 = arith.constant 0 : i32
      %dma_wait3A_132 = tpu.memref_slice %arg10[%dma_wait3A_130, %dma_wait3A_131] : memref<10240x128xf32, #tpu.memory_space<vmem_shared>> -> memref<10240x128xf32, #tpu.memory_space<vmem_shared>>
      tpu.wait_indirect_dma semaphore(%arg15 : memref<!tpu.dma_semaphore, #tpu.memory_space<semaphore_mem>>) src(%dma_wait3A_126 : memref<80x128xf32, #tpu.memory_space<vmem>>) dst(%dma_wait3A_132 : memref<10240x128xf32, #tpu.memory_space<vmem_shared>>)
      %dma_wait3A_133 = arith.constant 2 : i32
      %dma_wait3A_134 = arith.constant 0 : i32
      %dma_wait3A_135 = arith.constant 0 : i32
      %dma_wait3A_136 = arith.constant 0 : i32
      %dma_wait3A_137 = arith.constant 0 : i32
      %dma_wait3A_138 = tpu.memref_slice %arg9[%dma_wait3A_133, %dma_wait3A_136, %dma_wait3A_137] : memref<3x80x128xf32, #tpu.memory_space<vmem>> -> memref<1x80x128xf32, #tpu.memory_space<vmem>>
      %dma_wait3A_139 = tpu.memref_squeeze %dma_wait3A_138 : memref<1x80x128xf32, #tpu.memory_space<vmem>> -> memref<80x128xf32, #tpu.memory_space<vmem>>
      %dma_wait3A_140 = arith.constant 0 : i32
      %dma_wait3A_141 = tpu.memref_slice %arg8[%dma_wait3A_134, %dma_wait3A_135, %dma_wait3A_140] : memref<2x25x80xi32, #tpu.memory_space<vmem>> -> memref<1x1x80xi32, #tpu.memory_space<vmem>>
      %dma_wait3A_142 = tpu.memref_squeeze %dma_wait3A_141 : memref<1x1x80xi32, #tpu.memory_space<vmem>> -> memref<80xi32, #tpu.memory_space<vmem>>
      %dma_wait3A_143 = arith.constant 0 : i32
      %dma_wait3A_144 = arith.constant 0 : i32
      %dma_wait3A_145 = tpu.memref_slice %arg10[%dma_wait3A_143, %dma_wait3A_144] : memref<10240x128xf32, #tpu.memory_space<vmem_shared>> -> memref<10240x128xf32, #tpu.memory_space<vmem_shared>>
      tpu.wait_indirect_dma semaphore(%arg16 : memref<!tpu.dma_semaphore, #tpu.memory_space<semaphore_mem>>) src(%dma_wait3A_139 : memref<80x128xf32, #tpu.memory_space<vmem>>) dst(%dma_wait3A_145 : memref<10240x128xf32, #tpu.memory_space<vmem_shared>>)
      %add3A_146 = arith.constant 1 : i32
      %add3A_147 = arith.addi %scan3A_67, %add3A_146 : i32
      %lt3A_148 = arith.constant 5 : i32
      %lt3A_149 = arith.cmpi slt, %add3A_147, %lt3A_148 : i32
      %convert_element_type3A_150 = arith.extui %lt3A_149 : i1 to i32
      %cond3A_151 = arith.constant 0 : i32
      %cond3A_152 = arith.cmpi ne, %convert_element_type3A_150, %cond3A_151 : i32
      scf.if %cond3A_152 {
        %dma_wait3A_153 = arith.constant 0 : i32
        %dma_wait3A_154 = arith.constant 0 : i32
        %dma_wait3A_155 = arith.constant 0 : i32
        %dma_wait3A_156 = arith.constant 0 : i32
        %dma_wait3A_157 = tpu.memref_slice %arg7[%dma_wait3A_154, %dma_wait3A_155, %dma_wait3A_156] : memref<2x25x80xi32, #tpu.memory_space<vmem>> -> memref<1x25x80xi32, #tpu.memory_space<vmem>>
        %dma_wait3A_158 = tpu.memref_squeeze %dma_wait3A_157 : memref<1x25x80xi32, #tpu.memory_space<vmem>> -> memref<25x80xi32, #tpu.memory_space<vmem>>
        %dma_wait3A_159 = arith.constant 0 : i32
        %dma_wait3A_160 = arith.constant 0 : i32
        %dma_wait3A_161 = tpu.memref_slice %arg2[%arg0, %arg1, %dma_wait3A_153, %dma_wait3A_159, %dma_wait3A_160] : memref<2x16x5x25x80xi32, #tpu.memory_space<hbm>> -> memref<1x1x1x25x80xi32, #tpu.memory_space<hbm>>
        %dma_wait3A_162 = tpu.memref_squeeze %dma_wait3A_161 : memref<1x1x1x25x80xi32, #tpu.memory_space<hbm>> -> memref<25x80xi32, #tpu.memory_space<hbm>>
        %dma_wait3A_163 = arith.constant 0 : i32
        %dma_wait3A_164 = arith.constant 0 : i32
        %dma_wait3A_165 = tpu.memref_slice %arg7[%dma_wait3A_154, %dma_wait3A_163, %dma_wait3A_164] : memref<2x25x80xi32, #tpu.memory_space<vmem>> -> memref<1x25x80xi32, #tpu.memory_space<vmem>>
        %dma_wait3A_166 = tpu.memref_squeeze %dma_wait3A_165 : memref<1x25x80xi32, #tpu.memory_space<vmem>> -> memref<25x80xi32, #tpu.memory_space<vmem>>
        %dma_wait3A_167 = arith.constant 0 : i32
        %dma_wait3A_168 = arith.constant 0 : i32
        %dma_wait3A_169 = tpu.memref_slice %arg2[%arg0, %arg1, %dma_wait3A_153, %dma_wait3A_167, %dma_wait3A_168] : memref<2x16x5x25x80xi32, #tpu.memory_space<hbm>> -> memref<1x1x1x25x80xi32, #tpu.memory_space<hbm>>
        %dma_wait3A_170 = tpu.memref_squeeze %dma_wait3A_169 : memref<1x1x1x25x80xi32, #tpu.memory_space<hbm>> -> memref<25x80xi32, #tpu.memory_space<hbm>>
        tpu.wait_dma2 semaphore(%arg17 : memref<!tpu.dma_semaphore, #tpu.memory_space<semaphore_mem>>) src(%dma_wait3A_170 : memref<25x80xi32, #tpu.memory_space<hbm>>) dst(%dma_wait3A_166 : memref<25x80xi32, #tpu.memory_space<vmem>>)
        %dma_wait3A_171 = arith.constant 0 : i32
        %dma_wait3A_172 = arith.constant 0 : i32
        %dma_wait3A_173 = arith.constant 0 : i32
        %dma_wait3A_174 = arith.constant 0 : i32
        %dma_wait3A_175 = tpu.memref_slice %arg8[%dma_wait3A_172, %dma_wait3A_173, %dma_wait3A_174] : memref<2x25x80xi32, #tpu.memory_space<vmem>> -> memref<1x25x80xi32, #tpu.memory_space<vmem>>
        %dma_wait3A_176 = tpu.memref_squeeze %dma_wait3A_175 : memref<1x25x80xi32, #tpu.memory_space<vmem>> -> memref<25x80xi32, #tpu.memory_space<vmem>>
        %dma_wait3A_177 = arith.constant 0 : i32
        %dma_wait3A_178 = arith.constant 0 : i32
        %dma_wait3A_179 = tpu.memref_slice %arg3[%arg0, %arg1, %dma_wait3A_171, %dma_wait3A_177, %dma_wait3A_178] : memref<2x16x5x25x80xi32, #tpu.memory_space<hbm>> -> memref<1x1x1x25x80xi32, #tpu.memory_space<hbm>>
        %dma_wait3A_180 = tpu.memref_squeeze %dma_wait3A_179 : memref<1x1x1x25x80xi32, #tpu.memory_space<hbm>> -> memref<25x80xi32, #tpu.memory_space<hbm>>
        %dma_wait3A_181 = arith.constant 0 : i32
        %dma_wait3A_182 = arith.constant 0 : i32
        %dma_wait3A_183 = tpu.memref_slice %arg8[%dma_wait3A_172, %dma_wait3A_181, %dma_wait3A_182] : memref<2x25x80xi32, #tpu.memory_space<vmem>> -> memref<1x25x80xi32, #tpu.memory_space<vmem>>
        %dma_wait3A_184 = tpu.memref_squeeze %dma_wait3A_183 : memref<1x25x80xi32, #tpu.memory_space<vmem>> -> memref<25x80xi32, #tpu.memory_space<vmem>>
        %dma_wait3A_185 = arith.constant 0 : i32
        %dma_wait3A_186 = arith.constant 0 : i32
        %dma_wait3A_187 = tpu.memref_slice %arg3[%arg0, %arg1, %dma_wait3A_171, %dma_wait3A_185, %dma_wait3A_186] : memref<2x16x5x25x80xi32, #tpu.memory_space<hbm>> -> memref<1x1x1x25x80xi32, #tpu.memory_space<hbm>>
        %dma_wait3A_188 = tpu.memref_squeeze %dma_wait3A_187 : memref<1x1x1x25x80xi32, #tpu.memory_space<hbm>> -> memref<25x80xi32, #tpu.memory_space<hbm>>
        tpu.wait_dma2 semaphore(%arg17 : memref<!tpu.dma_semaphore, #tpu.memory_space<semaphore_mem>>) src(%dma_wait3A_188 : memref<25x80xi32, #tpu.memory_space<hbm>>) dst(%dma_wait3A_184 : memref<25x80xi32, #tpu.memory_space<vmem>>)
      } else {
      }
    }
    %scan3A_65 = arith.constant 5 : i32
    %barrier3A_66 = arith.constant 0 : index
    tpu.barrier barrier_id(%barrier3A_66)
    "tpu.region"() ({
      %run_scoped3A_67 = tpu.sem_alloc : memref<!tpu.dma_semaphore, #tpu.memory_space<semaphore_mem>>
      %dma_start3A_68 = arith.constant 0 : i32
      %dma_start3A_69 = tpu.memref_slice %arg6[%arg0, %mul3A_0, %dma_start3A_68] : memref<2x10240x128xf32, #tpu.memory_space<hbm>> -> memref<1x640x128xf32, #tpu.memory_space<hbm>>
      %dma_start3A_70 = tpu.memref_squeeze %dma_start3A_69 : memref<1x640x128xf32, #tpu.memory_space<hbm>> -> memref<640x128xf32, #tpu.memory_space<hbm>>
      %dma_start3A_71 = arith.constant 0 : i32
      %dma_start3A_72 = tpu.memref_slice %arg10[%mul3A_0, %dma_start3A_71] : memref<10240x128xf32, #tpu.memory_space<vmem_shared>> -> memref<640x128xf32, #tpu.memory_space<vmem_shared>>
      tpu.enqueue_dma source(%dma_start3A_72 : memref<640x128xf32, #tpu.memory_space<vmem_shared>>) target(%dma_start3A_70 : memref<640x128xf32, #tpu.memory_space<hbm>>) target_semaphore(%run_scoped3A_67 : memref<!tpu.dma_semaphore, #tpu.memory_space<semaphore_mem>>)
      %dma_wait3A_73 = arith.constant 0 : i32
      %dma_wait3A_74 = tpu.memref_slice %arg6[%arg0, %mul3A_0, %dma_wait3A_73] : memref<2x10240x128xf32, #tpu.memory_space<hbm>> -> memref<1x640x128xf32, #tpu.memory_space<hbm>>
      %dma_wait3A_75 = tpu.memref_squeeze %dma_wait3A_74 : memref<1x640x128xf32, #tpu.memory_space<hbm>> -> memref<640x128xf32, #tpu.memory_space<hbm>>
      %dma_wait3A_76 = arith.constant 0 : i32
      %dma_wait3A_77 = tpu.memref_slice %arg10[%mul3A_0, %dma_wait3A_76] : memref<10240x128xf32, #tpu.memory_space<vmem_shared>> -> memref<640x128xf32, #tpu.memory_space<vmem_shared>>
      tpu.wait_dma2 semaphore(%run_scoped3A_67 : memref<!tpu.dma_semaphore, #tpu.memory_space<semaphore_mem>>) src(%dma_wait3A_77 : memref<640x128xf32, #tpu.memory_space<vmem_shared>>) dst(%dma_wait3A_75 : memref<640x128xf32, #tpu.memory_space<hbm>>)
      tpu.yield
    }) : () -> ()
    return
  }
}

module attributes {stable_mosaic.version = 14 : i64} {
  func.func @body(%arg0: i32, %arg1: memref<2x2000x128xf32, #tpu.memory_space<vmem>>, %arg2: memref<2000x128xf32, #tpu.memory_space<vmem>>, %arg3: memref<128x128xf32, #tpu.memory_space<vmem>>, %arg4: memref<1x128xf32, #tpu.memory_space<vmem>>, %arg5: memref<128x128xf32, #tpu.memory_space<vmem>>, %arg6: memref<1x128xf32, #tpu.memory_space<vmem>>, %arg7: memref<2000x128xf32, #tpu.memory_space<vmem>>) attributes {dimension_semantics = [#tpu.dimension_semantics<arbitrary>], iteration_bounds = array<i64: 5>, scalar_prefetch = 0 : i64, scratch_operands = 0 : i64, tpu.core_type = #tpu.core_type<tc>, window_params = [{transform_indices = @transform_0, window_bounds = array<i64: 2, 2000, 128>}, {transform_indices = @transform_1, window_bounds = array<i64: 2000, 128>}, {pipeline_mode = #tpu.pipeline_mode<synchronous>, transform_indices = @transform_2, window_bounds = array<i64: 128, 128>}, {pipeline_mode = #tpu.pipeline_mode<synchronous>, transform_indices = @transform_3, window_bounds = array<i64: 1, 128>}, {pipeline_mode = #tpu.pipeline_mode<synchronous>, transform_indices = @transform_4, window_bounds = array<i64: 128, 128>}, {pipeline_mode = #tpu.pipeline_mode<synchronous>, transform_indices = @transform_5, window_bounds = array<i64: 1, 128>}, {transform_indices = @transform_6, window_bounds = array<i64: 2000, 128>}]} {
    %get3A = arith.constant 0 : index
    %get3A_0 = arith.constant 0 : index
    %get3A_1 = arith.constant 0 : index
    %get3A_2 = vector.load %arg1[%get3A, %get3A_0, %get3A_1] : memref<2x2000x128xf32, #tpu.memory_space<vmem>>, vector<1x2000x128xf32>
    %get3A_3 = vector.shape_cast %get3A_2 : vector<1x2000x128xf32> to vector<2000x128xf32>
    %get3A_4 = arith.constant 1 : index
    %get3A_5 = arith.constant 0 : index
    %get3A_6 = arith.constant 0 : index
    %get3A_7 = vector.load %arg1[%get3A_4, %get3A_5, %get3A_6] : memref<2x2000x128xf32, #tpu.memory_space<vmem>>, vector<1x2000x128xf32>
    %get3A_8 = vector.shape_cast %get3A_7 : vector<1x2000x128xf32> to vector<2000x128xf32>
    %add3A = arith.addf %get3A_3, %get3A_8 : vector<2000x128xf32>
    %get3A_9 = arith.constant 0 : index
    %get3A_10 = arith.constant 0 : index
    %get3A_11 = vector.load %arg3[%get3A_9, %get3A_10] : memref<128x128xf32, #tpu.memory_space<vmem>>, vector<128x128xf32>
    %dot_general3A = arith.constant dense<0.000000e+00> : vector<2000x128xf32>
    %dot_general3A_12 = tpu.matmul %add3A, %get3A_11, %dot_general3A {dimension_numbers = #tpu.dot_dimension_numbers<[1], [1], [0], [0], [0, 0, 1, 0], [], []>, transpose_lhs_hint = false} : vector<2000x128xf32>, vector<128x128xf32>, vector<2000x128xf32> -> vector<2000x128xf32>
    %get3A_13 = arith.constant 0 : index
    %get3A_14 = arith.constant 0 : index
    %get3A_15 = vector.load %arg4[%get3A_13, %get3A_14] : memref<1x128xf32, #tpu.memory_space<vmem>>, vector<1x128xf32>
    %add3A_16 = vector.broadcast %get3A_15 : vector<1x128xf32> to vector<2000x128xf32>
    %add3A_17 = arith.addf %dot_general3A_12, %add3A_16 : vector<2000x128xf32>
    %get3A_18 = arith.constant 0 : index
    %get3A_19 = arith.constant 0 : index
    %get3A_20 = vector.load %arg2[%get3A_18, %get3A_19] : memref<2000x128xf32, #tpu.memory_space<vmem>>, vector<2000x128xf32>
    %mul3A = arith.mulf %get3A_20, %add3A : vector<2000x128xf32>
    %get3A_21 = arith.constant 0 : index
    %get3A_22 = arith.constant 0 : index
    %get3A_23 = vector.load %arg5[%get3A_21, %get3A_22] : memref<128x128xf32, #tpu.memory_space<vmem>>, vector<128x128xf32>
    %dot_general3A_24 = arith.constant dense<0.000000e+00> : vector<2000x128xf32>
    %dot_general3A_25 = tpu.matmul %mul3A, %get3A_23, %dot_general3A_24 {dimension_numbers = #tpu.dot_dimension_numbers<[1], [1], [0], [0], [0, 0, 1, 0], [], []>, transpose_lhs_hint = false} : vector<2000x128xf32>, vector<128x128xf32>, vector<2000x128xf32> -> vector<2000x128xf32>
    %get3A_26 = arith.constant 0 : index
    %get3A_27 = arith.constant 0 : index
    %get3A_28 = vector.load %arg6[%get3A_26, %get3A_27] : memref<1x128xf32, #tpu.memory_space<vmem>>, vector<1x128xf32>
    %add3A_29 = vector.broadcast %get3A_28 : vector<1x128xf32> to vector<2000x128xf32>
    %add3A_30 = arith.addf %dot_general3A_25, %add3A_29 : vector<2000x128xf32>
    %ge3A = arith.constant 0.000000e+00 : f32
    %ge3A_31 = vector.broadcast %ge3A : f32 to vector<2000x128xf32>
    %ge3A_32 = arith.cmpf oge, %add3A_17, %ge3A_31 : vector<2000x128xf32>
    %mul3A_33 = arith.constant 0.00999999977 : f32
    %mul3A_34 = vector.broadcast %mul3A_33 : f32 to vector<2000x128xf32>
    %mul3A_35 = arith.mulf %mul3A_34, %add3A_17 : vector<2000x128xf32>
    %select_n3A = arith.select %ge3A_32, %add3A_17, %mul3A_35 : vector<2000x128xi1>, vector<2000x128xf32>
    %ge3A_36 = arith.constant 0.000000e+00 : f32
    %ge3A_37 = vector.broadcast %ge3A_36 : f32 to vector<2000x128xf32>
    %ge3A_38 = arith.cmpf oge, %add3A_30, %ge3A_37 : vector<2000x128xf32>
    %mul3A_39 = arith.constant 0.00999999977 : f32
    %mul3A_40 = vector.broadcast %mul3A_39 : f32 to vector<2000x128xf32>
    %mul3A_41 = arith.mulf %mul3A_40, %add3A_30 : vector<2000x128xf32>
    %select_n3A_42 = arith.select %ge3A_38, %add3A_30, %mul3A_41 : vector<2000x128xi1>, vector<2000x128xf32>
    %add3A_43 = arith.addf %select_n3A, %select_n3A_42 : vector<2000x128xf32>
    %swap3A = arith.constant 0 : index
    %swap3A_44 = arith.constant 0 : index
    %swap3A_45 = vector.load %arg7[%swap3A, %swap3A_44] : memref<2000x128xf32, #tpu.memory_space<vmem>>, vector<2000x128xf32>
    tpu.vector_store %arg7[%swap3A, %swap3A_44], %add3A_43 {strides = array<i32>} : memref<2000x128xf32, #tpu.memory_space<vmem>>, vector<2000x128xf32>,
    return
  }
  func.func @transform_0(%arg0: i32) -> (i32, i32, i32) {
    %c0_i32 = arith.constant 0 : i32
    %c0_i32_0 = arith.constant 0 : i32
    %c0_i32_1 = arith.constant 0 : i32
    return %c0_i32, %arg0, %c0_i32_0 : i32, i32, i32
  }
  func.func @transform_1(%arg0: i32) -> (i32, i32) {
    %c0_i32 = arith.constant 0 : i32
    %c0_i32_0 = arith.constant 0 : i32
    return %arg0, %c0_i32 : i32, i32
  }
  func.func @transform_2(%arg0: i32) -> (i32, i32) {
    %c0_i32 = arith.constant 0 : i32
    %c0_i32_0 = arith.constant 0 : i32
    %c0_i32_1 = arith.constant 0 : i32
    return %c0_i32, %c0_i32_0 : i32, i32
  }
  func.func @transform_3(%arg0: i32) -> (i32, i32) {
    %c0_i32 = arith.constant 0 : i32
    %c0_i32_0 = arith.constant 0 : i32
    %c0_i32_1 = arith.constant 0 : i32
    return %c0_i32, %c0_i32_0 : i32, i32
  }
  func.func @transform_4(%arg0: i32) -> (i32, i32) {
    %c0_i32 = arith.constant 0 : i32
    %c0_i32_0 = arith.constant 0 : i32
    %c0_i32_1 = arith.constant 0 : i32
    return %c0_i32, %c0_i32_0 : i32, i32
  }
  func.func @transform_5(%arg0: i32) -> (i32, i32) {
    %c0_i32 = arith.constant 0 : i32
    %c0_i32_0 = arith.constant 0 : i32
    %c0_i32_1 = arith.constant 0 : i32
    return %c0_i32, %c0_i32_0 : i32, i32
  }
  func.func @transform_6(%arg0: i32) -> (i32, i32) {
    %c0_i32 = arith.constant 0 : i32
    %c0_i32_0 = arith.constant 0 : i32
    return %arg0, %c0_i32 : i32, i32
  }
}

</mosaic_0001>

<sc_bundles>
// kernel: kernel.4.cloned.1.call-start
scs
__scs_entry_jumppad:
0x0: {  	(pc) =	sbr.rel $0x88, $3  }
0x1: {  	(tag) =	ssettag $0x0;
	lr =	simm.s32 $0x1  }
0x2: {  	[smem:$0x3F9B] =	sst lr;
	_ =	strace $0xD0000000  }
0x3: {  	_ = 	snop  }
0x4: {  	_ = 	snop  }
0x5: {  	_ = 	snop  }
0x6: {  	_ = 	snop  }
0x7: {  	_ = 	snop  }
__scs_overlays_trampoline_lowered:
0x8: {  	[smem:$0x3FAA] =	sst s0  }
0x9: {  	[smem:$0x3FAB] =	sst s1  }
0xa: {  	[smem:$0x3FAC] =	sst s2  }
0xb: {  	[smem:$0x3FAD] =	sst s3  }
0xc: {  	[smem:$0x3FAE] =	sst s4  }
0xd: {  	[smem:$0x3FAF] =	sst s5  }
0xe: {  	[smem:$0x3FB0] =	sst s6  }
0xf: {  	[smem:$0x3FB1] =	sst s7  }
0x10: {  	[smem:$0x3FB2] =	sst s8  }
0x11: {  	[smem:$0x3FB3] =	sst s9;
	s0 =	simm.s32 @!p0 $0x0  }
0x12: {  	s1 =	sld [smem:$0x3F99];
	s0 =	simm.s32 @p0 $0x1  }
0x13: {  	[smem:$0x3FB4] =	sst s0;
	s0 =	simm.s32 @!p1 $0x0  }
0x14: {  	s2 =	sld [smem:$0x3F98];
	s0 =	simm.s32 @p1 $0x1  }
0x15: {  	[smem:$0x3FB5] =	sst s0;
	s0 =	simm.s32 @!p2 $0x0  }
0x16: {  	s3 =	sld [smem:$0x3FDB];
	s0 =	simm.s32 @p2 $0x1  }
0x17: {  	s4 =	simm.s32 $0x1BF5;
	[smem:$0x3FB7] =	sst s0  }
0x18: {  	s0 =	sld [smem:$0x3F9A];
	_ =	swait.ge [sflag:s4], $0x0  }
0x19: {  	s7 =	sld [smem:$0x3F9B]  }
0x1a: {  	s8 =	sadd.s32 $0xFFFFE003, lr  }
0x1b: {  	s9 =	sadd.s32 $0xFFFFFEF7, lr;
	s5 =	simm.s32 $0xFFFFFFFF;
	p2 =	slt.u32 s8, $0xFFFFF086  }
0x1c: {  	p1 =	slt.u32 s9, $0xF7A;
	s5 =	simm.s32 @!p2 $0x0  }
0x1d: {  	s5 =	simm.s32 @p1 $0x1;
	p0 =	seq.s32 s7, s2  }
0x1e: {  	s7 =	smul.u32 @!p0 $0xF7A, s2;
	p2 =	seq.s32 @!p0 s5, $0x0  }
0x1f: {  	s9 =	smul.u32 $0xF7A, s1;
	s8 =	simm.s32 @!p0 $0x1BF5;
	p2 =	por !p2, p0  }
0x20: {  	[sflag:s8] =	ssyncset.s32 @!p0 $0xFFFFF086;
	s6 =	sadd.s32 @!p0 s3, s7;
	s7 =	simm.s32 @!p0 $0x108  }
0x21: {  	s3 =	sadd.s32 s3, s9;
	s6 =	sadd.s32 @!p0 $0x88, s6;
	s7 =	simm.s32 @p2 $0x1082  }
0x22: {  	[simem:s7], [sflag:s8] =	dma.local @!p0 [hbm:s6], $0xF7A  }
0x23: {  	s9 =	sor.u32 $0xD0000000, s2;
	s6 =	simm.s32 $0x108;
	_ =	swait.ge @!p0 [sflag:s8], $0x0  }
0x24: {  	s3 =	sadd.s32 $0x88, s3;
	s6 =	simm.s32 @!p1 $0x1082;
	[sflag:s4] =	ssyncset.s32 $0xFFFFF086  }
0x25: {  	[simem:s6], [sflag:s4] =	dma.local [hbm:s3], $0xF7A  }
0x26: {  	[smem:$0x3F9B] =	sst s1;
	(tag) =	ssettag s2;
	_ =	strace s9  }
0x27: {  	s1 =	sld [smem:$0x3FAB]  }
0x28: {  	s2 =	sld [smem:$0x3FAC]  }
0x29: {  	s4 =	sld [smem:$0x3FAE]  }
0x2a: {  	p0 =	seq.s32 s5, $0x0;
	s5 =	sld [smem:$0x3FAF]  }
0x2b: {  	s6 =	sld [smem:$0x3FB0]  }
0x2c: {  	s7 =	sld [smem:$0x3FB1]  }
0x2d: {  	s3 =	simm.s32 $0x108;
	s8 =	sld [smem:$0x3FB2]  }
0x2e: {  	s3 =	simm.s32 @!p0 $0x1082;
	s9 =	sld [smem:$0x3FB3]  }
0x2f: {  	lr =	sadd.s32 s0, s3;
	s0 =	sld [smem:$0x3FAA]  }
0x30: {  	s3 =	sld [smem:$0x3FAD]  }
0x31: {  	[smem:$0x3FB6] =	sst s10  }
0x32: {  	s10 =	sld [smem:$0x3FB4];
	_ =	sdelay $0x3  }
0x33: {  	p0 =	seq.s32 s10, $0x1;
	s10 =	sld [smem:$0x3FB6];
	_ =	sdelay $0x3  }
0x34: {  	[smem:$0x3FB6] =	sst s10  }
0x35: {  	s10 =	sld [smem:$0x3FB5];
	_ =	sdelay $0x3  }
0x36: {  	p1 =	seq.s32 s10, $0x1;
	s10 =	sld [smem:$0x3FB6];
	_ =	sdelay $0x3  }
0x37: {  	[smem:$0x3FB6] =	sst s10  }
0x38: {  	s10 =	sld [smem:$0x3FB7]  }
0x39: {  	_ = 	snop;
	(pc) =	sbr.ind lr, $3  }
0x3a: {  	_ = 	snop  }
0x3b: {  	_ = 	snop  }
0x3c: {  	p2 =	seq.s32 s10, $0x1;
	s10 =	sld [smem:$0x3FB6]  }
0x3d: {  	_ =	shalt  }
0x3e: {  	_ =	shalt  }
0x3f: {  	_ =	shalt  }
0x40: {  	_ =	shalt  }
0x41: {  	_ =	shalt  }
0x42: {  	_ =	shalt  }
0x43: {  	_ =	shalt  }
0x44: {  	_ =	shalt  }
0x45: {  	_ =	shalt  }
0x46: {  	_ =	shalt  }
0x47: {  	_ =	shalt  }
0x48: {  	_ =	shalt  }
0x49: {  	_ =	shalt  }
0x4a: {  	_ =	shalt  }
0x4b: {  	_ =	shalt  }
0x4c: {  	_ =	shalt  }
0x4d: {  	_ =	shalt  }
0x4e: {  	_ =	shalt  }
0x4f: {  	_ =	shalt  }
0x50: {  	_ =	shalt  }
0x51: {  	_ =	shalt  }
0x52: {  	_ =	shalt  }
0x53: {  	_ =	shalt  }
0x54: {  	_ =	shalt  }
0x55: {  	_ =	shalt  }
0x56: {  	_ =	shalt  }
0x57: {  	_ =	shalt  }
0x58: {  	_ =	shalt  }
0x59: {  	_ =	shalt  }
0x5a: {  	_ =	shalt  }
0x5b: {  	_ =	shalt  }
0x5c: {  	_ =	shalt  }
0x5d: {  	_ =	shalt  }
0x5e: {  	_ =	shalt  }
0x5f: {  	_ =	shalt  }
0x60: {  	_ =	shalt  }
0x61: {  	_ =	shalt  }
0x62: {  	_ =	shalt  }
0x63: {  	_ =	shalt  }
0x64: {  	_ =	shalt  }
0x65: {  	_ =	shalt  }
0x66: {  	_ =	shalt  }
0x67: {  	_ =	shalt  }
0x68: {  	_ =	shalt  }
0x69: {  	_ =	shalt  }
0x6a: {  	_ =	shalt  }
0x6b: {  	_ =	shalt  }
0x6c: {  	_ =	shalt  }
0x6d: {  	_ =	shalt  }
0x6e: {  	_ =	shalt  }
0x6f: {  	_ =	shalt  }
0x70: {  	_ =	shalt  }
0x71: {  	_ =	shalt  }
0x72: {  	_ =	shalt  }
0x73: {  	_ =	shalt  }
0x74: {  	_ =	shalt  }
0x75: {  	_ =	shalt  }
0x76: {  	_ =	shalt  }
0x77: {  	_ =	shalt  }
0x78: {  	_ =	shalt  }
0x79: {  	_ =	shalt  }
0x7a: {  	_ =	shalt  }
0x7b: {  	_ =	shalt  }
0x7c: {  	_ =	shalt  }
0x7d: {  	_ =	shalt  }
0x7e: {  	_ =	shalt  }
0x7f: {  	_ =	shalt  }
0x80: {  	_ =	shalt  }
0x81: {  	_ =	shalt  }
0x82: {  	_ =	shalt  }
0x83: {  	_ =	shalt  }
0x84: {  	_ =	shalt  }
0x85: {  	_ =	shalt  }
0x86: {  	_ =	shalt  }
0x87: {  	_ =	shalt  }
.Lfunc_end0:
.L_simem_size_0:
called_computation_lowered:
.L_overlay_start_0:
0x88: {  	s2 =	sld [smem:$0x3FD9]  }
0x89: {  	s3 =	sld [smem:$0x3FFE];
	_ =	sdelay $0x1  }
0x8a: {  	s1 =	srdreg.scid  }
0x8b: {  	s0 =	sand.u32 $0x1, s1  }
0x8c: {  	s17 =	sshll.u32 s0, $0xA;
	s2 =	sadd.s32 s3, s2  }
0x8d: {  	s2 =	sadd.s32 s2, s17  }
0x8e: {  	[smem:$0x3FC2] =	sst s2  }
0x8f: {  	_ = 	snop  }
0x90: {  	s2 =	sld [smem:$0x3FC8]  }
0x91: {  	s18 =	sld [smem:$0x3FD0];
	(tm) =	ssettm $0x1  }
0x92: {  	s4 =	sld [smem:$0x3FFB];
	_ =	sdelay $0x3  }
0x93: {  	_ =	strace s4  }
0x94: {  	s4 =	sld [smem:$0x3FFC];
	_ =	sdelay $0x3  }
0x95: {  	_ =	strace s4  }
0x96: {  	s4 =	sld [smem:$0x3FFD];
	_ =	sdelay $0x3  }
0x97: {  	_ =	strace s4  }
0x98: {  	_ =	strace $0x8FFFFFFF  }
0x99: {  	s19 =	sld [smem:$0x3FDB];
	_ =	sdelay $0x1  }
0x9a: {  	s5 =	simm.s32 $_scs_section_size  }
0x9b: {  	s6 =	simm.s32 $_size__tile_overlayer_lowered;
	s7 =	simm.s32 $_tile_overlayer_lowered  }
0x9c: {  	s22 =	simm.s32 $0x1BFF;
	s21 =	sshll.u32 s7, $0x1;
	s4 =	sadd.s32 s5, s19  }
0x9d: {  	s8 =	simm.s32 $0x0;
	s20 =	sshll.u32 s6, $0x1;
	s6 =	sadd.s32 s21, s4  }
0x9e: {  	[timem:s8], [sflag:s22] =	dma.local [hbm:s6], s20  }
0x9f: {  	_ =	swait.ge [sflag:s22], s20  }
0xa0: {  	s5 =	ssub.s32 $0x0, s20;
	[sflag:s22] =	ssyncset.done $0x0  }
0xa1: {  	[sflag:s22] =	ssyncadd.s32 s5;
	_ =	sdelay $0x1  }
0xa2: {  	s23 =	simm.s32 $0x1B8B  }
0xa3: {  	_ =	swait.ge [sflag:s23], $0x1  }
0xa4: {  	[sflag:s23] =	ssyncset.done $0x0  }
0xa5: {  	s25 =	simm.s32 $0x1B8E;
	s24 =	sld [smem:$0x3FFE];
	[sflag:s23] =	ssyncadd.s32 $0xFFFFFFFF  }
0xa6: {  	s26 =	simm.s32 $execute0_lowered;
	[smem:$0x3FD2] =	sst s25  }
0xa7: {  	s6 =	sshll.u32 s26, $0x1;
	_ =	strace $0x80000046;
	[dreg:$0x1] =	wrdreg $0xFFFFFFFF  }
0xa8: {  	s28 =	simm.s32 $_size_execute0_lowered;
	s4 =	sadd.s32 s4, s6;
	[dreg:$0x0] =	wrdreg $0x0  }
0xa9: {  	s6 =	sshll.u32 s28, $0x1;
	[dreg:$0x2] =	wrdreg s4  }
0xaa: {  	[dreg:$0x3] =	wrdreg s6  }
0xab: {  	[dreg:$0x4] =	wrdreg $0xC0  }
0xac: {  	_ =	task [dreg:s8], $0x5FFFF  }
0xad: {  	[dreg:$0x1] =	wrdreg $0xFFFFFFFF  }
0xae: {  	[dreg:$0x0] =	wrdreg $0x60  }
0xaf: {  	[dreg:$0x2] =	wrdreg s18  }
0xb0: {  	[dreg:$0x3] =	wrdreg s24  }
0xb1: {  	[dreg:$0x4] =	wrdreg s2  }
0xb2: {  	[dreg:$0x5] =	wrdreg $0xB8000  }
0xb3: {  	[dreg:$0x6] =	wrdreg $0x9  }
0xb4: {  	_ =	task.clear_ibuf [dreg:s8], $0x7FFFF;
	_ =	strace $0x90000046  }
0xb5: {  	s29 =	simm.s32 $0x9;
	_ =	strace $0x80000048  }
0xb6: {  	_ =	swait.ge [sflag:s29], $0x1  }
0xb7: {  	[sflag:s29] =	ssyncadd.s32 $0xFFFFFFFF  }
0xb8: {  	_ =	strace $0x90000048  }
0xb9: {  	_ =	sfence  }
0xba: {  	s30 =	sld [smem:$0x0];
	_ =	sdelay $0x2  }
0xbb: {  	s31 =	sshll.u32 s1, $0xD;
	s1 =	sshrl.u32 s1, $0x2  }
0xbc: {  	s3 =	sand.u32 $0x4000, s31;
	s1 =	sadd.s32 s1, s30  }
0xbd: {  	s0 =	sor.u32 s3, s0;
	s1 =	sshll.u32 s1, $0x11  }
0xbe: {  	s0 =	sor.u32 s1, s0  }
0xbf: {  	s0 =	sadd.s32 $0x8F2B, s0  }
0xc0: {  	[sflag:s0] =	ssyncadd.remote.s32 $0x1  }
0xc1: {  	_ =	sfence.sel $0xFFFF  }
0xc2: {  	[dreg:$0x0] =	wrdreg $0xFFFFFFFF;
	(pc) =	sbr.abs _section_cstart, $3  }
0xc3: {  	[dreg:$0x1] =	wrdreg $0xFFFFFFFF  }
0xc4: {  	_ =	task.clear_ibuf [dreg:s8], $0x2FFFF;
	_ =	strace $0x9FFFFFFF  }
0xc5: {  	(tm) =	ssettm $0x7FFFFFFF  }
tec
execute0_lowered:
.L_overlay_start_1:
0x0: {  	(tag) =	ssettag $0x1  }
0x1: {  	s0 =	rddreg [dreg:$0x0]  }
0x2: {  	s1 =	rddreg [dreg:$0x1]  }
0x3: {  	s3 =	rddreg [dreg:$0x2];
	s2 =	srdreg.scid  }
0x4: {  	s4 =	rddreg [dreg:$0x3];
	s10 =	stileid.u32  }
0x5: {  	s6 =	simm.s32 $0x0;
	s28 =	simm.s32 $0x50;
	s29 =	simm.s32 $0x4000  }
0x6: {  	s30 =	simm.s32 $0x6800;
	s31 =	simm.s32 $0x3;
	s7 =	smul.u32 $0x14000, s10  }
0x7: {  	s2 =	sand.u32 $0x1, s2;
	[smem:$0x7FF] =	sst s6;
	s9 =	smul.u32 $0x50000, s10  }
0x8: {  	s6 =	sadd.s32 $0xE00, s1;
	s20 =	sshll.u32 s10, $0x6;
	s10 =	smul.u32 $0x5000, s10  }
0x9: {  	s5 =	smul.u32 $0x140000, s2;
	_ =	strace $0x80000047;
	s8 =	ssub.s32 $0x2, s2  }
0xa: {  	[dreg:$0x5] =	wrdreg s20;
	s2 =	smul.u32 $0x50000, s2;
	s18 =	sshrl.u32 s8, $0x1  }
0xb: {  	s19 =	sshrl.u32 s9, $0x2;
	s9 =	sor.u32 $0x1C01, s20;
	s5 =	sadd.s32 s7, s5  }
0xc: {  	s7 =	sadd.s32 $0x14E00, s1;
	s10 =	sadd.s32 s10, s2;
	s5 =	sshrl.u32 s5, $0x3  }
0xd: {  	s15 =	sshrl.u32 s10, $0x3;
	s1 =	sadd.s32 s5, s1;
	s5 =	ssub.s32 s8, s18  }
0xe: {  	s8 =	sadd.s32 s19, s4;
	s20 =	sadd.s32 s0, s15;
	s15 =	sadd.s32 s6, s15  }
0xf: {  	s11 =	sadd.s32 $0x2000, s8;
	s12 =	sadd.s32 $0x4000, s8;
	s13 =	sadd.s32 $0x6000, s8  }
0x10: {  	s14 =	sadd.s32 $0x8000, s8;
	s16 =	sadd.s32 $0xA000, s8;
	s17 =	sadd.s32 $0xC000, s8  }
0x11: {  	s18 =	sadd.s32 $0xE000, s8;
	s2 =	sadd.s32 $0x10000, s8;
	[dreg:$0x6] =	wrdreg s20  }
0x12: {  	s19 =	sadd.s32 $0x12000, s8;
	[dreg:$0x7] =	wrdreg s15;
	s1 =	sadd.s32 $0x15200, s1  }
0x13: {  	s21 =	smax.u32 s5, $0x1;
	s15 =	sshrl.u32 s8, $0x3;
	[dreg:$0x8] =	wrdreg s1  }
0x14: {  	s5 =	simm.s32 $0x6;
	[dreg:$0x9] =	wrdreg s21;
	s22 =	sshrl.u32 s11, $0x3  }
0x15: {  	s8 =	simm.s32 $0x8;
	s23 =	sshrl.u32 s12, $0x3;
	[dreg:$0xa] =	wrdreg s22  }
0x16: {  	s24 =	sshrl.u32 s13, $0x3;
	s25 =	sshrl.u32 s14, $0x3;
	[dreg:$0xb] =	wrdreg s23  }
.Ltmp0:
0x17: {  	s26 =	sshrl.u32 s16, $0x3;
	[dreg:$0xc] =	wrdreg s24;
	(pc) =	sbr.rel .LBB2_1-.Ltmp0, $4  }
0x18: {  	s21 =	sshrl.u32 s17, $0x3;
	s1 =	simm.s32 $0x9000;
	[dreg:$0xd] =	wrdreg s25  }
0x19: {  	s11 =	simm.s32 $0x2;
	s12 =	simm.s32 $0x0;
	[dreg:$0xe] =	wrdreg s26  }
0x1a: {  	s22 =	sshrl.u32 s18, $0x3;
	s23 =	sshrl.u32 s2, $0x3;
	s24 =	sshrl.u32 s19, $0x3  }
0x1b: {  	s25 =	simm.s32 $0x1;
	s2 =	simm.s32 $0x5;
	s26 =	simm.s32 $0x4  }
.LBB2_18:
0x1c: {  	[bflag:$0x0] =	sbarrier.arrive $0xFFFF  }
0x1d: {  	s13 =	rddreg [dreg:$0x5]  }
0x1e: {  	s14 =	rddreg [dreg:$0x8];
	s13 =	sor.u32 $0x1C08, s13  }
0x1f: {  	[hbm:s14], [sflag:s13] =	dma.local [spmem:s15], $0x2800  }
0x20: {  	_ =	swait.ge [sflag:s8], $0x2800  }
0x21: {  	s12 =	sadd.s32 $0x1, s12;
	s20 =	rddreg [dreg:$0x9]  }
0x22: {  	p0 =	sne.s32 s12, s20  }
.Ltmp1:
0x23: {  	_ = 	snop;
	(pc) =	sbr.rel @!p0 .LBB2_19-.Ltmp1, $3  }
0x24: {  	_ =	sdelay $0x1  }
0x25: {  	[sflag:s8] =	ssyncset.done $0x0  }
0x26: {  	[sflag:s8] =	ssyncadd.s32 $0xFFFFD800  }
.LBB2_1:
0x27: {  	[spmem:s15], [sflag:s9] =	dma.local [hbm:s7], $0x400  }
0x28: {  	s13 =	rddreg [dreg:$0xa]  }
0x29: {  	[spmem:s13], [sflag:s9] =	dma.local [hbm:s7], $0x400  }
0x2a: {  	s13 =	rddreg [dreg:$0xb]  }
0x2b: {  	[spmem:s13], [sflag:s9] =	dma.local [hbm:s7], $0x400  }
0x2c: {  	s13 =	rddreg [dreg:$0xc]  }
0x2d: {  	[spmem:s13], [sflag:s9] =	dma.local [hbm:s7], $0x400  }
0x2e: {  	s13 =	rddreg [dreg:$0xd]  }
0x2f: {  	[spmem:s13], [sflag:s9] =	dma.local [hbm:s7], $0x400  }
0x30: {  	s13 =	rddreg [dreg:$0xe]  }
0x31: {  	[spmem:s13], [sflag:s9] =	dma.local [hbm:s7], $0x400  }
0x32: {  	[spmem:s21], [sflag:s9] =	dma.local [hbm:s7], $0x400  }
0x33: {  	[spmem:s22], [sflag:s9] =	dma.local [hbm:s7], $0x400  }
0x34: {  	[spmem:s23], [sflag:s9] =	dma.local [hbm:s7], $0x400  }
0x35: {  	[spmem:s24], [sflag:s9] =	dma.local [hbm:s7], $0x400  }
0x36: {  	_ =	swait.ge [sflag:s25], $0x400  }
0x37: {  	[sflag:s25] =	ssyncset.done $0x0  }
0x38: {  	[sflag:s25] =	ssyncadd.s32 $0xFFFFFC00  }
0x39: {  	_ =	swait.ge [sflag:s25], $0x400  }
0x3a: {  	[sflag:s25] =	ssyncset.done $0x0  }
0x3b: {  	[sflag:s25] =	ssyncadd.s32 $0xFFFFFC00  }
0x3c: {  	_ =	swait.ge [sflag:s25], $0x400  }
0x3d: {  	[sflag:s25] =	ssyncset.done $0x0  }
0x3e: {  	[sflag:s25] =	ssyncadd.s32 $0xFFFFFC00  }
0x3f: {  	_ =	swait.ge [sflag:s25], $0x400  }
0x40: {  	[sflag:s25] =	ssyncset.done $0x0  }
0x41: {  	[sflag:s25] =	ssyncadd.s32 $0xFFFFFC00  }
0x42: {  	_ =	swait.ge [sflag:s25], $0x400  }
0x43: {  	[sflag:s25] =	ssyncset.done $0x0  }
0x44: {  	[sflag:s25] =	ssyncadd.s32 $0xFFFFFC00  }
0x45: {  	_ =	swait.ge [sflag:s25], $0x400  }
0x46: {  	[sflag:s25] =	ssyncset.done $0x0  }
0x47: {  	[sflag:s25] =	ssyncadd.s32 $0xFFFFFC00  }
0x48: {  	_ =	swait.ge [sflag:s25], $0x400  }
0x49: {  	[sflag:s25] =	ssyncset.done $0x0  }
0x4a: {  	[sflag:s25] =	ssyncadd.s32 $0xFFFFFC00  }
0x4b: {  	_ =	swait.ge [sflag:s25], $0x400  }
0x4c: {  	[sflag:s25] =	ssyncset.done $0x0  }
0x4d: {  	[sflag:s25] =	ssyncadd.s32 $0xFFFFFC00  }
0x4e: {  	_ =	swait.ge [sflag:s25], $0x400  }
0x4f: {  	[sflag:s25] =	ssyncset.done $0x0  }
0x50: {  	[sflag:s25] =	ssyncadd.s32 $0xFFFFFC00  }
0x51: {  	_ =	swait.ge [sflag:s25], $0x400  }
0x52: {  	[sflag:s25] =	ssyncset.done $0x0  }
0x53: {  	[sflag:s25] =	ssyncadd.s32 $0xFFFFFC00  }
0x54: {  	[bflag:$0x0] =	sbarrier.arrive $0xFFFF  }
0x55: {  	s19 =	simm.s32 $0x0;
	s14 =	rddreg [dreg:$0x6]  }
0x56: {  	[tilespmem:s19], [sflag:$0x8] =	stream.linear.gather [hbm4b:s14+s19], $0xC80, $0x38;
	[tilespmem:$0x1F800] =	vst v63  }
0x57: {  	s16 =	simm.s32 $0x2000;
	_ =	swait.ge [sflag:s8], $0xC80  }
0x58: {  	p0 =	por $0x0, $0x0;
	s13 =	simm.s32 $0x0;
	[sflag:s8] =	ssyncset.done $0x0  }
0x59: {  	s14 =	simm.s32 $0x8;
	s20 =	rddreg [dreg:$0x7];
	[sflag:s8] =	ssyncadd.s32 $0xFFFFF380  }
0x5a: {  	[tilespmem:s16], [sflag:$0x8] =	stream.linear.gather [hbm4b:s20+s19], $0xC80, $0x38;
	[tilespmem:$0x1F800] =	vst v63  }
.LBB2_2:
0x5b: {  	s16 =	smov.u32 s13  }
0x5c: {  	s13 =	sadd.s32 $0x1, s13;
	p1 =	seq.s32 s16, $0x4  }
0x5d: {  	_ =	swait.ge [sflag:s14], $0xC80;
	s17 =	sshll.u32 @!p1 s13, $0xC  }
0x5e: {  	[sflag:s14] =	ssyncset.done $0x0;
	s18 =	sadd.s32 @!p1 s10, s17  }
0x5f: {  	[sflag:s14] =	ssyncadd.s32 $0xFFFFF380;
	s14 =	sshrl.u32 @!p1 s18, $0x3  }
0x60: {  	s19 =	simm.s32 @!p1 $0x0;
	s17 =	sand.u32 @!p1 $0x1000, s17;
	s18 =	sadd.s32 @!p1 s0, s14  }
0x61: {  	[tilespmem:s17], [sflag:$0x7] =	stream.linear.gather @!p1 [hbm4b:s18+s19], $0xC80, $0x38;
	[tilespmem:$0x1F800] =	vst v63  }
0x62: {  	s14 =	sadd.s32 @!p1 s6, s14;
	s17 =	sor.u32 @!p1 $0x2000, s17  }
0x63: {  	[tilespmem:s17], [sflag:$0x7] =	stream.linear.gather @!p1 [hbm4b:s14+s19], $0xC80, $0x38;
	[tilespmem:$0x1F800] =	vst v63  }
0x64: {  	s16 =	sshll.u32 s16, $0xC;
	s14 =	simm.s32 $0x1  }
.Ltmp2:
0x65: {  	s18 =	sand.u32 $0x1000, s16;
	s14 =	simm.s32 @!p0 $0x0;
	(pc) =	sbr.rel .LBB2_3-.Ltmp2, $4  }
0x66: {  	[tilespmem:s29], [sflag:$0x1] =	stream.indirect.gather [hbm4b:s3+s28], $0x80, s18, s28, $0xb8;
	[tilespmem:$0x1F800] =	vst v63  }
0x67: {  	s20 =	sor.u32 $0x80, s18;
	s17 =	sor.u32 $0x100, s18;
	s19 =	sshll.u32 s14, $0xC  }
0x68: {  	s18 =	simm.s32 $0x0;
	s14 =	sor.u32 $0x2000, s19;
	s16 =	sor.u32 $0x100, s19  }
0x69: {  	[tilespmem:s30], [sflag:$0x2] =	stream.indirect.gather [hbm4b:s3+s28], $0x80, s20, s28, $0xb8;
	[tilespmem:$0x1F800] =	vst v63  }
.LBB2_9:
0x6a: {  	p2 =	seq.s32 s18, $0x0  }
0x6b: {  	s19 =	simm.s32 @!p2 $0x4  }
0x6c: {  	_ =	swait.ge @!p2 [sflag:s19], $0x2800  }
0x6d: {  	[sflag:s19] =	ssyncset.done @!p2 $0x0  }
0x6e: {  	[sflag:s19] =	ssyncadd.s32 @!p2 $0xFFFFD800  }
0x6f: {  	[tilespmem:s29], [sflag:$0x1] =	stream.indirect.gather [hbm4b:s3+s28], $0x80, s16, s28, $0xb8;
	[tilespmem:$0x1F800] =	vst v63  }
.LBB2_15:
0x70: {  	s18 =	sadd.s32 $0x1, s18  }
0x71: {  	p2 =	sne.s32 s18, $0x19  }
.Ltmp3:
0x72: {  	_ = 	snop;
	(pc) =	sbr.rel @!p2 .LBB2_16-.Ltmp3, $2  }
0x73: {  	_ =	sdelay $0x2  }
0x74: {  	s14 =	sadd.s32 $0x80, s14;
	s16 =	sadd.s32 $0x80, s16  }
.LBB2_3:
0x75: {  	s19 =	smul.u32 $0xAB, s18;
	_ =	sdelay $0x1  }
0x76: {  	s19 =	sshrl.u32 s19, $0x9  }
0x77: {  	s19 =	sand.u32 $0x7F, s19  }
0x78: {  	s19 =	smul.u32 $0x3, s19;
	_ =	sdelay $0x1  }
0x79: {  	s19 =	ssub.s32 s18, s19  }
0x7a: {  	s19 =	sand.u32 $0xFF, s19  }
0x7b: {  	p2 =	seq.s32 s19, $0x2  }
.Ltmp4:
0x7c: {  	_ = 	snop;
	(pc) =	sbr.rel @p2 .LBB2_5-.Ltmp4, $1  }
0x7d: {  	_ =	sdelay $0x3  }
0x7e: {  	p2 =	seq.s32 s19, $0x1  }
0x7f: {  	_ =	swait.ge @p2 [sflag:s11], $0x2800  }
0x80: {  	[sflag:s11] =	ssyncset.done @p2 $0x0  }
0x81: {  	[sflag:s11] =	ssyncadd.s32 @p2 $0xFFFFD800  }
0x82: {  	[spmem:s4] =	stream.indirect.scatter.add.f32 @p2 [tilespmem:s30], [sflag:$0x5], $0x80, s14, s28, $0xb8;
	[tilespmem:$0x1F800] =	vst v63  }
.Ltmp5:
0x83: {  	_ = 	snop;
	(pc) =	sbr.rel .LBB2_6-.Ltmp5, $4  }
0x84: {  	_ =	swait.ge @!p2 [sflag:s25], $0x2800  }
0x85: {  	[sflag:s25] =	ssyncset.done @!p2 $0x0  }
0x86: {  	[sflag:s25] =	ssyncadd.s32 @!p2 $0xFFFFD800  }
0x87: {  	[spmem:s4] =	stream.indirect.scatter.add.f32 @!p2 [tilespmem:s29], [sflag:$0x4], $0x80, s14, s28, $0xb8;
	[tilespmem:$0x1F800] =	vst v63  }
.LBB2_5:
0x88: {  	_ =	swait.ge [sflag:s31], $0x2800  }
0x89: {  	[sflag:s31] =	ssyncset.done $0x0  }
0x8a: {  	[sflag:s31] =	ssyncadd.s32 $0xFFFFD800  }
0x8b: {  	[spmem:s4] =	stream.indirect.scatter.add.f32 [tilespmem:s1], [sflag:$0x6], $0x80, s14, s28, $0xb8;
	[tilespmem:$0x1F800] =	vst v63  }
.LBB2_6:
0x8c: {  	p2 =	sgt.u32 s18, $0x16  }
.Ltmp6:
0x8d: {  	_ = 	snop;
	(pc) =	sbr.rel @p2 .LBB2_15-.Ltmp6, $1  }
0x8e: {  	_ =	sdelay $0x3  }
0x8f: {  	s19 =	sadd.s32 $0x2, s18  }
0x90: {  	s20 =	smul.u32 $0xAB, s19;
	_ =	sdelay $0x1  }
0x91: {  	s20 =	sshrl.u32 s20, $0x9  }
0x92: {  	s20 =	sand.u32 $0x7F, s20  }
0x93: {  	s20 =	smul.u32 $0x3, s20;
	_ =	sdelay $0x1  }
0x94: {  	s19 =	ssub.s32 s19, s20  }
0x95: {  	s19 =	sand.u32 $0xFF, s19  }
0x96: {  	p2 =	seq.s32 s19, $0x2  }
.Ltmp7:
0x97: {  	_ = 	snop;
	(pc) =	sbr.rel @p2 .LBB2_13-.Ltmp7, $1  }
0x98: {  	_ =	sdelay $0x3  }
0x99: {  	p2 =	seq.s32 s19, $0x1  }
.Ltmp8:
0x9a: {  	_ = 	snop;
	(pc) =	sbr.rel @!p2 .LBB2_9-.Ltmp8, $1  }
0x9b: {  	_ =	sdelay $0x3  }
0x9c: {  	p2 =	sne.s32 s18, $0x0  }
.Ltmp9:
0x9d: {  	_ = 	snop;
	(pc) =	sbr.rel @!p2 .LBB2_11-.Ltmp9, $1  }
0x9e: {  	_ =	sdelay $0x3  }
.Ltmp10:
0x9f: {  	(pc) =	sbr.rel .LBB2_15-.Ltmp10, $4  }
0xa0: {  	_ =	swait.ge [sflag:s2], $0x2800  }
0xa1: {  	[sflag:s2] =	ssyncset.done $0x0  }
0xa2: {  	[sflag:s2] =	ssyncadd.s32 $0xFFFFD800  }
0xa3: {  	[tilespmem:s30], [sflag:$0x2] =	stream.indirect.gather [hbm4b:s3+s28], $0x80, s16, s28, $0xb8;
	[tilespmem:$0x1F800] =	vst v63  }
.LBB2_13:
.Ltmp11:
0xa4: {  	p2 =	seq.s32 s18, $0x0;
	(pc) =	sbr.rel .LBB2_14-.Ltmp11, $4  }
0xa5: {  	s19 =	simm.s32 @!p2 $0x6  }
0xa6: {  	_ =	swait.ge @!p2 [sflag:s19], $0x2800  }
0xa7: {  	[sflag:s19] =	ssyncset.done @!p2 $0x0  }
0xa8: {  	[sflag:s19] =	ssyncadd.s32 @!p2 $0xFFFFD800  }
.LBB2_11:
0xa9: {  	[tilespmem:s30], [sflag:$0x2] =	stream.indirect.gather [hbm4b:s3+s28], $0x80, s17, s28, $0xb8;
	[tilespmem:$0x1F800] =	vst v63  }
.LBB2_14:
.Ltmp12:
0xaa: {  	(pc) =	sbr.rel .LBB2_15-.Ltmp12, $2  }
0xab: {  	_ =	sdelay $0x2  }
0xac: {  	[tilespmem:s1], [sflag:$0x3] =	stream.indirect.gather [hbm4b:s3+s28], $0x80, s16, s28, $0xb8;
	[tilespmem:$0x1F800] =	vst v63  }
.LBB2_16:
0xad: {  	_ =	swait.ge [sflag:s26], $0x2800  }
0xae: {  	[sflag:s26] =	ssyncset.done $0x0  }
0xaf: {  	[sflag:s26] =	ssyncadd.s32 $0xFFFFD800  }
0xb0: {  	_ =	swait.ge [sflag:s2], $0x2800  }
.Ltmp13:
0xb1: {  	[sflag:s2] =	ssyncset.done $0x0;
	(pc) =	sbr.rel @p1 .LBB2_18-.Ltmp13, $4  }
0xb2: {  	[sflag:s2] =	ssyncadd.s32 $0xFFFFD800  }
0xb3: {  	_ =	swait.ge [sflag:s5], $0x2800  }
0xb4: {  	[sflag:s5] =	ssyncset.done $0x0  }
0xb5: {  	[sflag:s5] =	ssyncadd.s32 $0xFFFFD800  }
.Ltmp14:
0xb6: {  	(pc) =	sbr.rel .LBB2_2-.Ltmp14, $4  }
0xb7: {  	s14 =	simm.s32 $0x7  }
0xb8: {  	_ =	swait.ge [sflag:s14], $0xC80  }
0xb9: {  	[sflag:s14] =	ssyncset.done $0x0  }
0xba: {  	p0 =	por !p0, !p0;
	[sflag:s14] =	ssyncadd.s32 $0xFFFFF380  }
.LBB2_19:
0xbb: {  	_ =	sfence.sel $0x180000  }
0xbc: {  	[bflag:$0x0] =	sbarrier.arrive $0xFFFF  }
0xbd: {  	_ =	strace $0x90000047  }
0xbe: {  	s0 =	stileid.u32;
	[bflag:$0x2] =	sbarrier.arrive $0xFFFF  }
0xbf: {  	p0 =	sne.s32 s0, $0x0;
	s0 =	rddreg [dreg:$0x4]  }
0xc0: {  	s0 =	sadd.s32 @!p0 $0x100000, s0  }
0xc1: {  	[sflag:s0] =	ssyncadd.tile.s32 @!p0 $0x1;
	_ =	shalt  }
.Lfunc_end2:
_tile_overlayer_lowered:
.L_overlay_start_2:
0xc2: {  	(tag) =	ssettag $0x2  }
0xc3: {  	s0 =	rddreg [dreg:$0x0];
	s2 =	stileid.u32  }
0xc4: {  	s1 =	rddreg [dreg:$0x1];
	p0 =	sne.s32 s2, $0x0  }
0xc5: {  	s3 =	rddreg [dreg:$0x2];
	[bflag:$0x3] =	sbarrier.arrive $0xFFFF;
	s2 =	simm.s32 @!p0 $0x1C08  }
0xc6: {  	[timem:s3], [sflag:s2] =	dma.local @!p0 [hbm:s0], s1  }
0xc7: {  	s0 =	simm.s32 @!p0 $0x8  }
0xc8: {  	_ =	swait.ge @!p0 [sflag:s0], s1  }
0xc9: {  	s1 =	ssub.s32 @!p0 $0x0, s1;
	[sflag:s0] =	ssyncset.done @!p0 $0x0  }
0xca: {  	[sflag:s0] =	ssyncadd.s32 @!p0 s1  }
0xcb: {  	[bflag:$0x3] =	sbarrier.arrive $0xFFFF  }
0xcc: {  	_ =	shalt  }

</sc_bundles>
